<compile_context>
chip_gen: v7x
topology: tpu7x:2x2x1
jax: 0.10.2.dev20260603
libtpu: 0.0.44.dev20260713+nightly
codegen_flags: <defaults>
</compile_context>

<pallas_src>
import functools

import jax
import jax.numpy as jnp
from jax import lax
from jax.experimental import pallas as pl
from jax.experimental.pallas import tpu as pltpu
from jax.experimental.pallas import tpu_sc as plsc

MU_CONST = 3.5
HIDDEN_DIM = 32
CHUNK = 128


def _make_lfm(batch: int):
    info = plsc.get_sparse_core_info()
    nc, ns = info.num_cores, info.num_subcores
    nw = nc * ns
    assert batch % (nw * CHUNK) == 0
    bpw = batch // nw
    nchunk = bpw // CHUNK

    mesh = plsc.VectorSubcoreMesh(core_axis_name="c", subcore_axis_name="s")

    @functools.partial(
        pl.kernel,
        out_type=jax.ShapeDtypeStruct((batch,), jnp.float32),
        mesh=mesh,
        compiler_params=pltpu.CompilerParams(
            needs_layout_passes=False, use_tc_tiling_on_sc=False),
        scratch_types=[
            pltpu.VMEM((nchunk, CHUNK), jnp.int32),
            pltpu.VMEM((nchunk, CHUNK), jnp.int32),
            pltpu.VMEM((bpw, HIDDEN_DIM), jnp.float32),
            pltpu.VMEM((bpw, HIDDEN_DIM), jnp.float32),
            pltpu.VMEM((bpw,), jnp.float32),
            pltpu.VMEM((bpw,), jnp.float32),
            pltpu.VMEM((bpw,), jnp.float32),
            pltpu.SemaphoreType.DMA,
        ],
    )
    def lfm(uidx_hbm, iidx_hbm, ue_hbm, ie_hbm, bu_hbm, bi_hbm, out_hbm,
            uidx_v, iidx_v, p_v, q_v, bu_v, bi_v, out_v, sem):
        wid = lax.axis_index("s") * nc + lax.axis_index("c")
        base = wid * bpw

        pltpu.sync_copy(uidx_hbm.at[pl.ds(wid * nchunk, nchunk)], uidx_v)
        pltpu.sync_copy(iidx_hbm.at[pl.ds(wid * nchunk, nchunk)], iidx_v)

        copies = []
        for j in range(nchunk):
            dst = pl.ds(j * CHUNK, CHUNK)
            copies.append(pltpu.async_copy(
                ue_hbm.at[uidx_v.at[j]], p_v.at[dst], sem))
            copies.append(pltpu.async_copy(
                ie_hbm.at[iidx_v.at[j]], q_v.at[dst], sem))
            copies.append(pltpu.async_copy(
                bu_hbm.at[uidx_v.at[j]], bu_v.at[dst], sem))
            copies.append(pltpu.async_copy(
                bi_hbm.at[iidx_v.at[j]], bi_v.at[dst], sem))
        for c in copies:
            c.wait()

        lane = lax.iota(jnp.int32, 16)

        def body(g, carry):
            rows = g * 16 + lane
            sl = pl.ds(g * 16, 16)
            acc = bu_v[sl] + bi_v[sl] + MU_CONST
            for h in range(HIDDEN_DIM):
                col = jnp.full((16,), h, jnp.int32)
                acc += (plsc.load_gather(p_v, [rows, col])
                        * plsc.load_gather(q_v, [rows, col]))
            out_v[sl] = acc
            return carry

        lax.fori_loop(0, bpw // 16, body, 0)

        pltpu.sync_copy(out_v, out_hbm.at[pl.ds(base, bpw)])

    return lfm


def kernel(user_indexs, item_indexs, user_embed, item_embed, bias_u, bias_i):
    batch = user_indexs.shape[0]
    info = plsc.get_sparse_core_info()
    nw = info.num_cores * info.num_subcores
    u2 = user_indexs.astype(jnp.int32).reshape(batch // CHUNK, CHUNK)
    i2 = item_indexs.astype(jnp.int32).reshape(batch // CHUNK, CHUNK)
    out = _make_lfm(batch)(u2, i2, user_embed, item_embed,
                           bias_u.reshape(-1), bias_i.reshape(-1))
    return out.reshape(batch, 1)

# --- scband reference (transcript-rebuilt; emitter-appended) ---
"""Pipeline reference for scband-lfm-3049426780701 (READ-ONLY COPY).

The authoritative reference and input builder live on the scoring server;
editing this copy changes nothing except your own understanding.
"""

import jax, jax.numpy as jnp
import numpy as np

NUM_USER = 1000000
NUM_ITEM = 1000000
HIDDEN = 32
MU = 3.5
BATCH = 16384

def setup_inputs(seed: int = 0) -> dict:
    key = jax.random.key(seed)
    k1, k2, k3, k4 = jax.random.split(key, 4)
    user_indexs = jax.random.randint(k1, (BATCH,), 0, NUM_USER, dtype=jnp.int64 if jax.config.jax_enable_x64 else jnp.int32)
    item_indexs = jax.random.randint(k2, (BATCH,), 0, NUM_ITEM, dtype=jnp.int64 if jax.config.jax_enable_x64 else jnp.int32)
    user_embed = jax.random.normal(k3, (NUM_USER, HIDDEN), dtype=jnp.float32) * 0.01
    item_embed = jax.random.normal(k4, (NUM_ITEM, HIDDEN), dtype=jnp.float32) * 0.01
    bias_u = jnp.zeros((NUM_USER, 1), dtype=jnp.float32)
    bias_i = jnp.zeros((NUM_ITEM, 1), dtype=jnp.float32)
    return {"user_indexs": user_indexs, "item_indexs": item_indexs,
            "user_embed": user_embed, "item_embed": item_embed,
            "bias_u": bias_u, "bias_i": bias_i}

def reference(user_indexs, item_indexs, user_embed, item_embed, bias_u, bias_i):
    P = jnp.take(user_embed, user_indexs, axis=0)
    Q = jnp.take(item_embed, item_indexs, axis=0)
    interaction = jnp.sum(P * Q, axis=1)[:, None]
    bu = jnp.take(bias_u, user_indexs, axis=0)
    bi = jnp.take(bias_i, item_indexs, axis=0)
    return MU + bu + bi + interaction

if __name__ == "__main__":
    import jax
    _d = setup_inputs()
    print(jax.jit(kernel)(*tuple(_d.values())))

</pallas_src>

<mosaic_0001>
#map = affine_map<(d0, d1) -> (0, 0)>
#map1 = affine_map<(d0, d1) -> (0)>
module attributes {stable_mosaic.version = 14 : i64} {
  func.func @lfm(%arg0: i32, %arg1: i32, %arg2: memref<128x128xi32, #tpu.memory_space<hbm>>, %arg3: memref<128x128xi32, #tpu.memory_space<hbm>>, %arg4: memref<1000000x32xf32, #tpu.memory_space<hbm>>, %arg5: memref<1000000x32xf32, #tpu.memory_space<hbm>>, %arg6: memref<1000000xf32, #tpu.memory_space<hbm>>, %arg7: memref<1000000xf32, #tpu.memory_space<hbm>>, %arg8: memref<16384xf32, #tpu.memory_space<hbm>>, %arg9: memref<4x128xi32, #tpu.memory_space<vmem>>, %arg10: memref<4x128xi32, #tpu.memory_space<vmem>>, %arg11: memref<512x32xf32, #tpu.memory_space<vmem>>, %arg12: memref<512x32xf32, #tpu.memory_space<vmem>>, %arg13: memref<512xf32, #tpu.memory_space<vmem>>, %arg14: memref<512xf32, #tpu.memory_space<vmem>>, %arg15: memref<512xf32, #tpu.memory_space<vmem>>, %arg16: memref<!tpu.dma_semaphore, #tpu.memory_space<semaphore_mem>>) attributes {dimension_semantics = [#tpu.dimension_semantics<core_parallel>, #tpu.dimension_semantics<subcore_parallel>], iteration_bounds = array<i64: 2, 16>, scalar_prefetch = 0 : i64, scratch_operands = 8 : i64, tpu.core_type = #tpu.core_type<sc_vector_subcore>, window_params = [{transform_indices = #map}, {transform_indices = #map}, {transform_indices = #map}, {transform_indices = #map}, {transform_indices = #map1}, {transform_indices = #map1}, {transform_indices = #map1}]} {
    %mul3A = arith.constant 2 : i32
    %mul3A_0 = arith.muli %arg1, %mul3A : i32
    %add3A = arith.addi %mul3A_0, %arg0 : i32
    %mul3A_1 = arith.constant 512 : i32
    %mul3A_2 = arith.muli %add3A, %mul3A_1 : i32
    %mul3A_3 = arith.constant 4 : i32
    %mul3A_4 = arith.muli %add3A, %mul3A_3 : i32
    "tpu.region"() ({
      %run_scoped3A = tpu.sem_alloc : memref<!tpu.dma_semaphore, #tpu.memory_space<semaphore_mem>>
      %dma_start3A_298 = arith.constant 0 : i32
      %dma_start3A_299 = tpu.memref_slice %arg2[%mul3A_4, %dma_start3A_298] : memref<128x128xi32, #tpu.memory_space<hbm>> -> memref<4x128xi32, #tpu.memory_space<hbm>>
      %dma_start3A_300 = arith.constant 0 : i32
      %dma_start3A_301 = tpu.memref_slice %arg2[%mul3A_4, %dma_start3A_300] : memref<128x128xi32, #tpu.memory_space<hbm>> -> memref<4x128xi32, #tpu.memory_space<hbm>>
      tpu.enqueue_dma source(%dma_start3A_301 : memref<4x128xi32, #tpu.memory_space<hbm>>) target(%arg9 : memref<4x128xi32, #tpu.memory_space<vmem>>) target_semaphore(%run_scoped3A : memref<!tpu.dma_semaphore, #tpu.memory_space<semaphore_mem>>)
      %dma_wait3A_302 = arith.constant 0 : i32
      %dma_wait3A_303 = tpu.memref_slice %arg2[%mul3A_4, %dma_wait3A_302] : memref<128x128xi32, #tpu.memory_space<hbm>> -> memref<4x128xi32, #tpu.memory_space<hbm>>
      %dma_wait3A_304 = arith.constant 0 : i32
      %dma_wait3A_305 = tpu.memref_slice %arg2[%mul3A_4, %dma_wait3A_304] : memref<128x128xi32, #tpu.memory_space<hbm>> -> memref<4x128xi32, #tpu.memory_space<hbm>>
      tpu.wait_dma2 semaphore(%run_scoped3A : memref<!tpu.dma_semaphore, #tpu.memory_space<semaphore_mem>>) src(%dma_wait3A_305 : memref<4x128xi32, #tpu.memory_space<hbm>>) dst(%arg9 : memref<4x128xi32, #tpu.memory_space<vmem>>)
      tpu.yield
    }) : () -> ()
    %mul3A_5 = arith.constant 4 : i32
    %mul3A_6 = arith.muli %add3A, %mul3A_5 : i32
    "tpu.region"() ({
      %run_scoped3A = tpu.sem_alloc : memref<!tpu.dma_semaphore, #tpu.memory_space<semaphore_mem>>
      %dma_start3A_298 = arith.constant 0 : i32
      %dma_start3A_299 = tpu.memref_slice %arg3[%mul3A_6, %dma_start3A_298] : memref<128x128xi32, #tpu.memory_space<hbm>> -> memref<4x128xi32, #tpu.memory_space<hbm>>
      %dma_start3A_300 = arith.constant 0 : i32
      %dma_start3A_301 = tpu.memref_slice %arg3[%mul3A_6, %dma_start3A_300] : memref<128x128xi32, #tpu.memory_space<hbm>> -> memref<4x128xi32, #tpu.memory_space<hbm>>
      tpu.enqueue_dma source(%dma_start3A_301 : memref<4x128xi32, #tpu.memory_space<hbm>>) target(%arg10 : memref<4x128xi32, #tpu.memory_space<vmem>>) target_semaphore(%run_scoped3A : memref<!tpu.dma_semaphore, #tpu.memory_space<semaphore_mem>>)
      %dma_wait3A_302 = arith.constant 0 : i32
      %dma_wait3A_303 = tpu.memref_slice %arg3[%mul3A_6, %dma_wait3A_302] : memref<128x128xi32, #tpu.memory_space<hbm>> -> memref<4x128xi32, #tpu.memory_space<hbm>>
      %dma_wait3A_304 = arith.constant 0 : i32
      %dma_wait3A_305 = tpu.memref_slice %arg3[%mul3A_6, %dma_wait3A_304] : memref<128x128xi32, #tpu.memory_space<hbm>> -> memref<4x128xi32, #tpu.memory_space<hbm>>
      tpu.wait_dma2 semaphore(%run_scoped3A : memref<!tpu.dma_semaphore, #tpu.memory_space<semaphore_mem>>) src(%dma_wait3A_305 : memref<4x128xi32, #tpu.memory_space<hbm>>) dst(%arg10 : memref<4x128xi32, #tpu.memory_space<vmem>>)
      tpu.yield
    }) : () -> ()
    %dma_start3A = arith.constant 0 : i32
    %dma_start3A_7 = arith.constant 0 : i32
    %dma_start3A_8 = arith.constant 0 : i32
    %dma_start3A_9 = tpu.memref_slice %arg11[%dma_start3A_7, %dma_start3A_8] : memref<512x32xf32, #tpu.memory_space<vmem>> -> memref<128x32xf32, #tpu.memory_space<vmem>>
    %dma_start3A_10 = arith.constant 0 : i32
    %dma_start3A_11 = tpu.memref_slice %arg9[%dma_start3A, %dma_start3A_10] : memref<4x128xi32, #tpu.memory_space<vmem>> -> memref<1x128xi32, #tpu.memory_space<vmem>>
    %dma_start3A_12 = tpu.memref_squeeze %dma_start3A_11 : memref<1x128xi32, #tpu.memory_space<vmem>> -> memref<128xi32, #tpu.memory_space<vmem>>
    %dma_start3A_13 = arith.constant 0 : i32
    %dma_start3A_14 = arith.constant 0 : i32
    %dma_start3A_15 = tpu.memref_slice %arg4[%dma_start3A_13, %dma_start3A_14] : memref<1000000x32xf32, #tpu.memory_space<hbm>> -> memref<1000000x32xf32, #tpu.memory_space<hbm>>
    tpu.enqueue_indirect_dma source(%dma_start3A_15 : memref<1000000x32xf32, #tpu.memory_space<hbm>>) target(%dma_start3A_9 : memref<128x32xf32, #tpu.memory_space<vmem>>) offsets(%dma_start3A_12 : memref<128xi32, #tpu.memory_space<vmem>>) semaphore(%arg16 : memref<!tpu.dma_semaphore, #tpu.memory_space<semaphore_mem>>)
    %dma_start3A_16 = arith.constant 0 : i32
    %dma_start3A_17 = arith.constant 0 : i32
    %dma_start3A_18 = arith.constant 0 : i32
    %dma_start3A_19 = tpu.memref_slice %arg12[%dma_start3A_17, %dma_start3A_18] : memref<512x32xf32, #tpu.memory_space<vmem>> -> memref<128x32xf32, #tpu.memory_space<vmem>>
    %dma_start3A_20 = arith.constant 0 : i32
    %dma_start3A_21 = tpu.memref_slice %arg10[%dma_start3A_16, %dma_start3A_20] : memref<4x128xi32, #tpu.memory_space<vmem>> -> memref<1x128xi32, #tpu.memory_space<vmem>>
    %dma_start3A_22 = tpu.memref_squeeze %dma_start3A_21 : memref<1x128xi32, #tpu.memory_space<vmem>> -> memref<128xi32, #tpu.memory_space<vmem>>
    %dma_start3A_23 = arith.constant 0 : i32
    %dma_start3A_24 = arith.constant 0 : i32
    %dma_start3A_25 = tpu.memref_slice %arg5[%dma_start3A_23, %dma_start3A_24] : memref<1000000x32xf32, #tpu.memory_space<hbm>> -> memref<1000000x32xf32, #tpu.memory_space<hbm>>
    tpu.enqueue_indirect_dma source(%dma_start3A_25 : memref<1000000x32xf32, #tpu.memory_space<hbm>>) target(%dma_start3A_19 : memref<128x32xf32, #tpu.memory_space<vmem>>) offsets(%dma_start3A_22 : memref<128xi32, #tpu.memory_space<vmem>>) semaphore(%arg16 : memref<!tpu.dma_semaphore, #tpu.memory_space<semaphore_mem>>)
    %dma_start3A_26 = arith.constant 0 : i32
    %dma_start3A_27 = arith.constant 0 : i32
    %dma_start3A_28 = tpu.memref_slice %arg13[%dma_start3A_27] : memref<512xf32, #tpu.memory_space<vmem>> -> memref<128xf32, #tpu.memory_space<vmem>>
    %dma_start3A_29 = arith.constant 0 : i32
    %dma_start3A_30 = tpu.memref_slice %arg9[%dma_start3A_26, %dma_start3A_29] : memref<4x128xi32, #tpu.memory_space<vmem>> -> memref<1x128xi32, #tpu.memory_space<vmem>>
    %dma_start3A_31 = tpu.memref_squeeze %dma_start3A_30 : memref<1x128xi32, #tpu.memory_space<vmem>> -> memref<128xi32, #tpu.memory_space<vmem>>
    %dma_start3A_32 = arith.constant 0 : i32
    %dma_start3A_33 = tpu.memref_slice %arg6[%dma_start3A_32] : memref<1000000xf32, #tpu.memory_space<hbm>> -> memref<1000000xf32, #tpu.memory_space<hbm>>
    tpu.enqueue_indirect_dma source(%dma_start3A_33 : memref<1000000xf32, #tpu.memory_space<hbm>>) target(%dma_start3A_28 : memref<128xf32, #tpu.memory_space<vmem>>) offsets(%dma_start3A_31 : memref<128xi32, #tpu.memory_space<vmem>>) semaphore(%arg16 : memref<!tpu.dma_semaphore, #tpu.memory_space<semaphore_mem>>)
    %dma_start3A_34 = arith.constant 0 : i32
    %dma_start3A_35 = arith.constant 0 : i32
    %dma_start3A_36 = tpu.memref_slice %arg14[%dma_start3A_35] : memref<512xf32, #tpu.memory_space<vmem>> -> memref<128xf32, #tpu.memory_space<vmem>>
    %dma_start3A_37 = arith.constant 0 : i32
    %dma_start3A_38 = tpu.memref_slice %arg10[%dma_start3A_34, %dma_start3A_37] : memref<4x128xi32, #tpu.memory_space<vmem>> -> memref<1x128xi32, #tpu.memory_space<vmem>>
    %dma_start3A_39 = tpu.memref_squeeze %dma_start3A_38 : memref<1x128xi32, #tpu.memory_space<vmem>> -> memref<128xi32, #tpu.memory_space<vmem>>
    %dma_start3A_40 = arith.constant 0 : i32
    %dma_start3A_41 = tpu.memref_slice %arg7[%dma_start3A_40] : memref<1000000xf32, #tpu.memory_space<hbm>> -> memref<1000000xf32, #tpu.memory_space<hbm>>
    tpu.enqueue_indirect_dma source(%dma_start3A_41 : memref<1000000xf32, #tpu.memory_space<hbm>>) target(%dma_start3A_36 : memref<128xf32, #tpu.memory_space<vmem>>) offsets(%dma_start3A_39 : memref<128xi32, #tpu.memory_space<vmem>>) semaphore(%arg16 : memref<!tpu.dma_semaphore, #tpu.memory_space<semaphore_mem>>)
    %dma_start3A_42 = arith.constant 1 : i32
    %dma_start3A_43 = arith.constant 128 : i32
    %dma_start3A_44 = arith.constant 0 : i32
    %dma_start3A_45 = tpu.memref_slice %arg11[%dma_start3A_43, %dma_start3A_44] : memref<512x32xf32, #tpu.memory_space<vmem>> -> memref<128x32xf32, #tpu.memory_space<vmem>>
    %dma_start3A_46 = arith.constant 0 : i32
    %dma_start3A_47 = tpu.memref_slice %arg9[%dma_start3A_42, %dma_start3A_46] : memref<4x128xi32, #tpu.memory_space<vmem>> -> memref<1x128xi32, #tpu.memory_space<vmem>>
    %dma_start3A_48 = tpu.memref_squeeze %dma_start3A_47 : memref<1x128xi32, #tpu.memory_space<vmem>> -> memref<128xi32, #tpu.memory_space<vmem>>
    %dma_start3A_49 = arith.constant 0 : i32
    %dma_start3A_50 = arith.constant 0 : i32
    %dma_start3A_51 = tpu.memref_slice %arg4[%dma_start3A_49, %dma_start3A_50] : memref<1000000x32xf32, #tpu.memory_space<hbm>> -> memref<1000000x32xf32, #tpu.memory_space<hbm>>
    tpu.enqueue_indirect_dma source(%dma_start3A_51 : memref<1000000x32xf32, #tpu.memory_space<hbm>>) target(%dma_start3A_45 : memref<128x32xf32, #tpu.memory_space<vmem>>) offsets(%dma_start3A_48 : memref<128xi32, #tpu.memory_space<vmem>>) semaphore(%arg16 : memref<!tpu.dma_semaphore, #tpu.memory_space<semaphore_mem>>)
    %dma_start3A_52 = arith.constant 1 : i32
    %dma_start3A_53 = arith.constant 128 : i32
    %dma_start3A_54 = arith.constant 0 : i32
    %dma_start3A_55 = tpu.memref_slice %arg12[%dma_start3A_53, %dma_start3A_54] : memref<512x32xf32, #tpu.memory_space<vmem>> -> memref<128x32xf32, #tpu.memory_space<vmem>>
    %dma_start3A_56 = arith.constant 0 : i32
    %dma_start3A_57 = tpu.memref_slice %arg10[%dma_start3A_52, %dma_start3A_56] : memref<4x128xi32, #tpu.memory_space<vmem>> -> memref<1x128xi32, #tpu.memory_space<vmem>>
    %dma_start3A_58 = tpu.memref_squeeze %dma_start3A_57 : memref<1x128xi32, #tpu.memory_space<vmem>> -> memref<128xi32, #tpu.memory_space<vmem>>
    %dma_start3A_59 = arith.constant 0 : i32
    %dma_start3A_60 = arith.constant 0 : i32
    %dma_start3A_61 = tpu.memref_slice %arg5[%dma_start3A_59, %dma_start3A_60] : memref<1000000x32xf32, #tpu.memory_space<hbm>> -> memref<1000000x32xf32, #tpu.memory_space<hbm>>
    tpu.enqueue_indirect_dma source(%dma_start3A_61 : memref<1000000x32xf32, #tpu.memory_space<hbm>>) target(%dma_start3A_55 : memref<128x32xf32, #tpu.memory_space<vmem>>) offsets(%dma_start3A_58 : memref<128xi32, #tpu.memory_space<vmem>>) semaphore(%arg16 : memref<!tpu.dma_semaphore, #tpu.memory_space<semaphore_mem>>)
    %dma_start3A_62 = arith.constant 1 : i32
    %dma_start3A_63 = arith.constant 128 : i32
    %dma_start3A_64 = tpu.memref_slice %arg13[%dma_start3A_63] : memref<512xf32, #tpu.memory_space<vmem>> -> memref<128xf32, #tpu.memory_space<vmem>>
    %dma_start3A_65 = arith.constant 0 : i32
    %dma_start3A_66 = tpu.memref_slice %arg9[%dma_start3A_62, %dma_start3A_65] : memref<4x128xi32, #tpu.memory_space<vmem>> -> memref<1x128xi32, #tpu.memory_space<vmem>>
    %dma_start3A_67 = tpu.memref_squeeze %dma_start3A_66 : memref<1x128xi32, #tpu.memory_space<vmem>> -> memref<128xi32, #tpu.memory_space<vmem>>
    %dma_start3A_68 = arith.constant 0 : i32
    %dma_start3A_69 = tpu.memref_slice %arg6[%dma_start3A_68] : memref<1000000xf32, #tpu.memory_space<hbm>> -> memref<1000000xf32, #tpu.memory_space<hbm>>
    tpu.enqueue_indirect_dma source(%dma_start3A_69 : memref<1000000xf32, #tpu.memory_space<hbm>>) target(%dma_start3A_64 : memref<128xf32, #tpu.memory_space<vmem>>) offsets(%dma_start3A_67 : memref<128xi32, #tpu.memory_space<vmem>>) semaphore(%arg16 : memref<!tpu.dma_semaphore, #tpu.memory_space<semaphore_mem>>)
    %dma_start3A_70 = arith.constant 1 : i32
    %dma_start3A_71 = arith.constant 128 : i32
    %dma_start3A_72 = tpu.memref_slice %arg14[%dma_start3A_71] : memref<512xf32, #tpu.memory_space<vmem>> -> memref<128xf32, #tpu.memory_space<vmem>>
    %dma_start3A_73 = arith.constant 0 : i32
    %dma_start3A_74 = tpu.memref_slice %arg10[%dma_start3A_70, %dma_start3A_73] : memref<4x128xi32, #tpu.memory_space<vmem>> -> memref<1x128xi32, #tpu.memory_space<vmem>>
    %dma_start3A_75 = tpu.memref_squeeze %dma_start3A_74 : memref<1x128xi32, #tpu.memory_space<vmem>> -> memref<128xi32, #tpu.memory_space<vmem>>
    %dma_start3A_76 = arith.constant 0 : i32
    %dma_start3A_77 = tpu.memref_slice %arg7[%dma_start3A_76] : memref<1000000xf32, #tpu.memory_space<hbm>> -> memref<1000000xf32, #tpu.memory_space<hbm>>
    tpu.enqueue_indirect_dma source(%dma_start3A_77 : memref<1000000xf32, #tpu.memory_space<hbm>>) target(%dma_start3A_72 : memref<128xf32, #tpu.memory_space<vmem>>) offsets(%dma_start3A_75 : memref<128xi32, #tpu.memory_space<vmem>>) semaphore(%arg16 : memref<!tpu.dma_semaphore, #tpu.memory_space<semaphore_mem>>)
    %dma_start3A_78 = arith.constant 2 : i32
    %dma_start3A_79 = arith.constant 256 : i32
    %dma_start3A_80 = arith.constant 0 : i32
    %dma_start3A_81 = tpu.memref_slice %arg11[%dma_start3A_79, %dma_start3A_80] : memref<512x32xf32, #tpu.memory_space<vmem>> -> memref<128x32xf32, #tpu.memory_space<vmem>>
    %dma_start3A_82 = arith.constant 0 : i32
    %dma_start3A_83 = tpu.memref_slice %arg9[%dma_start3A_78, %dma_start3A_82] : memref<4x128xi32, #tpu.memory_space<vmem>> -> memref<1x128xi32, #tpu.memory_space<vmem>>
    %dma_start3A_84 = tpu.memref_squeeze %dma_start3A_83 : memref<1x128xi32, #tpu.memory_space<vmem>> -> memref<128xi32, #tpu.memory_space<vmem>>
    %dma_start3A_85 = arith.constant 0 : i32
    %dma_start3A_86 = arith.constant 0 : i32
    %dma_start3A_87 = tpu.memref_slice %arg4[%dma_start3A_85, %dma_start3A_86] : memref<1000000x32xf32, #tpu.memory_space<hbm>> -> memref<1000000x32xf32, #tpu.memory_space<hbm>>
    tpu.enqueue_indirect_dma source(%dma_start3A_87 : memref<1000000x32xf32, #tpu.memory_space<hbm>>) target(%dma_start3A_81 : memref<128x32xf32, #tpu.memory_space<vmem>>) offsets(%dma_start3A_84 : memref<128xi32, #tpu.memory_space<vmem>>) semaphore(%arg16 : memref<!tpu.dma_semaphore, #tpu.memory_space<semaphore_mem>>)
    %dma_start3A_88 = arith.constant 2 : i32
    %dma_start3A_89 = arith.constant 256 : i32
    %dma_start3A_90 = arith.constant 0 : i32
    %dma_start3A_91 = tpu.memref_slice %arg12[%dma_start3A_89, %dma_start3A_90] : memref<512x32xf32, #tpu.memory_space<vmem>> -> memref<128x32xf32, #tpu.memory_space<vmem>>
    %dma_start3A_92 = arith.constant 0 : i32
    %dma_start3A_93 = tpu.memref_slice %arg10[%dma_start3A_88, %dma_start3A_92] : memref<4x128xi32, #tpu.memory_space<vmem>> -> memref<1x128xi32, #tpu.memory_space<vmem>>
    %dma_start3A_94 = tpu.memref_squeeze %dma_start3A_93 : memref<1x128xi32, #tpu.memory_space<vmem>> -> memref<128xi32, #tpu.memory_space<vmem>>
    %dma_start3A_95 = arith.constant 0 : i32
    %dma_start3A_96 = arith.constant 0 : i32
    %dma_start3A_97 = tpu.memref_slice %arg5[%dma_start3A_95, %dma_start3A_96] : memref<1000000x32xf32, #tpu.memory_space<hbm>> -> memref<1000000x32xf32, #tpu.memory_space<hbm>>
    tpu.enqueue_indirect_dma source(%dma_start3A_97 : memref<1000000x32xf32, #tpu.memory_space<hbm>>) target(%dma_start3A_91 : memref<128x32xf32, #tpu.memory_space<vmem>>) offsets(%dma_start3A_94 : memref<128xi32, #tpu.memory_space<vmem>>) semaphore(%arg16 : memref<!tpu.dma_semaphore, #tpu.memory_space<semaphore_mem>>)
    %dma_start3A_98 = arith.constant 2 : i32
    %dma_start3A_99 = arith.constant 256 : i32
    %dma_start3A_100 = tpu.memref_slice %arg13[%dma_start3A_99] : memref<512xf32, #tpu.memory_space<vmem>> -> memref<128xf32, #tpu.memory_space<vmem>>
    %dma_start3A_101 = arith.constant 0 : i32
    %dma_start3A_102 = tpu.memref_slice %arg9[%dma_start3A_98, %dma_start3A_101] : memref<4x128xi32, #tpu.memory_space<vmem>> -> memref<1x128xi32, #tpu.memory_space<vmem>>
    %dma_start3A_103 = tpu.memref_squeeze %dma_start3A_102 : memref<1x128xi32, #tpu.memory_space<vmem>> -> memref<128xi32, #tpu.memory_space<vmem>>
    %dma_start3A_104 = arith.constant 0 : i32
    %dma_start3A_105 = tpu.memref_slice %arg6[%dma_start3A_104] : memref<1000000xf32, #tpu.memory_space<hbm>> -> memref<1000000xf32, #tpu.memory_space<hbm>>
    tpu.enqueue_indirect_dma source(%dma_start3A_105 : memref<1000000xf32, #tpu.memory_space<hbm>>) target(%dma_start3A_100 : memref<128xf32, #tpu.memory_space<vmem>>) offsets(%dma_start3A_103 : memref<128xi32, #tpu.memory_space<vmem>>) semaphore(%arg16 : memref<!tpu.dma_semaphore, #tpu.memory_space<semaphore_mem>>)
    %dma_start3A_106 = arith.constant 2 : i32
    %dma_start3A_107 = arith.constant 256 : i32
    %dma_start3A_108 = tpu.memref_slice %arg14[%dma_start3A_107] : memref<512xf32, #tpu.memory_space<vmem>> -> memref<128xf32, #tpu.memory_space<vmem>>
    %dma_start3A_109 = arith.constant 0 : i32
    %dma_start3A_110 = tpu.memref_slice %arg10[%dma_start3A_106, %dma_start3A_109] : memref<4x128xi32, #tpu.memory_space<vmem>> -> memref<1x128xi32, #tpu.memory_space<vmem>>
    %dma_start3A_111 = tpu.memref_squeeze %dma_start3A_110 : memref<1x128xi32, #tpu.memory_space<vmem>> -> memref<128xi32, #tpu.memory_space<vmem>>
    %dma_start3A_112 = arith.constant 0 : i32
    %dma_start3A_113 = tpu.memref_slice %arg7[%dma_start3A_112] : memref<1000000xf32, #tpu.memory_space<hbm>> -> memref<1000000xf32, #tpu.memory_space<hbm>>
    tpu.enqueue_indirect_dma source(%dma_start3A_113 : memref<1000000xf32, #tpu.memory_space<hbm>>) target(%dma_start3A_108 : memref<128xf32, #tpu.memory_space<vmem>>) offsets(%dma_start3A_111 : memref<128xi32, #tpu.memory_space<vmem>>) semaphore(%arg16 : memref<!tpu.dma_semaphore, #tpu.memory_space<semaphore_mem>>)
    %dma_start3A_114 = arith.constant 3 : i32
    %dma_start3A_115 = arith.constant 384 : i32
    %dma_start3A_116 = arith.constant 0 : i32
    %dma_start3A_117 = tpu.memref_slice %arg11[%dma_start3A_115, %dma_start3A_116] : memref<512x32xf32, #tpu.memory_space<vmem>> -> memref<128x32xf32, #tpu.memory_space<vmem>>
    %dma_start3A_118 = arith.constant 0 : i32
    %dma_start3A_119 = tpu.memref_slice %arg9[%dma_start3A_114, %dma_start3A_118] : memref<4x128xi32, #tpu.memory_space<vmem>> -> memref<1x128xi32, #tpu.memory_space<vmem>>
    %dma_start3A_120 = tpu.memref_squeeze %dma_start3A_119 : memref<1x128xi32, #tpu.memory_space<vmem>> -> memref<128xi32, #tpu.memory_space<vmem>>
    %dma_start3A_121 = arith.constant 0 : i32
    %dma_start3A_122 = arith.constant 0 : i32
    %dma_start3A_123 = tpu.memref_slice %arg4[%dma_start3A_121, %dma_start3A_122] : memref<1000000x32xf32, #tpu.memory_space<hbm>> -> memref<1000000x32xf32, #tpu.memory_space<hbm>>
    tpu.enqueue_indirect_dma source(%dma_start3A_123 : memref<1000000x32xf32, #tpu.memory_space<hbm>>) target(%dma_start3A_117 : memref<128x32xf32, #tpu.memory_space<vmem>>) offsets(%dma_start3A_120 : memref<128xi32, #tpu.memory_space<vmem>>) semaphore(%arg16 : memref<!tpu.dma_semaphore, #tpu.memory_space<semaphore_mem>>)
    %dma_start3A_124 = arith.constant 3 : i32
    %dma_start3A_125 = arith.constant 384 : i32
    %dma_start3A_126 = arith.constant 0 : i32
    %dma_start3A_127 = tpu.memref_slice %arg12[%dma_start3A_125, %dma_start3A_126] : memref<512x32xf32, #tpu.memory_space<vmem>> -> memref<128x32xf32, #tpu.memory_space<vmem>>
    %dma_start3A_128 = arith.constant 0 : i32
    %dma_start3A_129 = tpu.memref_slice %arg10[%dma_start3A_124, %dma_start3A_128] : memref<4x128xi32, #tpu.memory_space<vmem>> -> memref<1x128xi32, #tpu.memory_space<vmem>>
    %dma_start3A_130 = tpu.memref_squeeze %dma_start3A_129 : memref<1x128xi32, #tpu.memory_space<vmem>> -> memref<128xi32, #tpu.memory_space<vmem>>
    %dma_start3A_131 = arith.constant 0 : i32
    %dma_start3A_132 = arith.constant 0 : i32
    %dma_start3A_133 = tpu.memref_slice %arg5[%dma_start3A_131, %dma_start3A_132] : memref<1000000x32xf32, #tpu.memory_space<hbm>> -> memref<1000000x32xf32, #tpu.memory_space<hbm>>
    tpu.enqueue_indirect_dma source(%dma_start3A_133 : memref<1000000x32xf32, #tpu.memory_space<hbm>>) target(%dma_start3A_127 : memref<128x32xf32, #tpu.memory_space<vmem>>) offsets(%dma_start3A_130 : memref<128xi32, #tpu.memory_space<vmem>>) semaphore(%arg16 : memref<!tpu.dma_semaphore, #tpu.memory_space<semaphore_mem>>)
    %dma_start3A_134 = arith.constant 3 : i32
    %dma_start3A_135 = arith.constant 384 : i32
    %dma_start3A_136 = tpu.memref_slice %arg13[%dma_start3A_135] : memref<512xf32, #tpu.memory_space<vmem>> -> memref<128xf32, #tpu.memory_space<vmem>>
    %dma_start3A_137 = arith.constant 0 : i32
    %dma_start3A_138 = tpu.memref_slice %arg9[%dma_start3A_134, %dma_start3A_137] : memref<4x128xi32, #tpu.memory_space<vmem>> -> memref<1x128xi32, #tpu.memory_space<vmem>>
    %dma_start3A_139 = tpu.memref_squeeze %dma_start3A_138 : memref<1x128xi32, #tpu.memory_space<vmem>> -> memref<128xi32, #tpu.memory_space<vmem>>
    %dma_start3A_140 = arith.constant 0 : i32
    %dma_start3A_141 = tpu.memref_slice %arg6[%dma_start3A_140] : memref<1000000xf32, #tpu.memory_space<hbm>> -> memref<1000000xf32, #tpu.memory_space<hbm>>
    tpu.enqueue_indirect_dma source(%dma_start3A_141 : memref<1000000xf32, #tpu.memory_space<hbm>>) target(%dma_start3A_136 : memref<128xf32, #tpu.memory_space<vmem>>) offsets(%dma_start3A_139 : memref<128xi32, #tpu.memory_space<vmem>>) semaphore(%arg16 : memref<!tpu.dma_semaphore, #tpu.memory_space<semaphore_mem>>)
    %dma_start3A_142 = arith.constant 3 : i32
    %dma_start3A_143 = arith.constant 384 : i32
    %dma_start3A_144 = tpu.memref_slice %arg14[%dma_start3A_143] : memref<512xf32, #tpu.memory_space<vmem>> -> memref<128xf32, #tpu.memory_space<vmem>>
    %dma_start3A_145 = arith.constant 0 : i32
    %dma_start3A_146 = tpu.memref_slice %arg10[%dma_start3A_142, %dma_start3A_145] : memref<4x128xi32, #tpu.memory_space<vmem>> -> memref<1x128xi32, #tpu.memory_space<vmem>>
    %dma_start3A_147 = tpu.memref_squeeze %dma_start3A_146 : memref<1x128xi32, #tpu.memory_space<vmem>> -> memref<128xi32, #tpu.memory_space<vmem>>
    %dma_start3A_148 = arith.constant 0 : i32
    %dma_start3A_149 = tpu.memref_slice %arg7[%dma_start3A_148] : memref<1000000xf32, #tpu.memory_space<hbm>> -> memref<1000000xf32, #tpu.memory_space<hbm>>
    tpu.enqueue_indirect_dma source(%dma_start3A_149 : memref<1000000xf32, #tpu.memory_space<hbm>>) target(%dma_start3A_144 : memref<128xf32, #tpu.memory_space<vmem>>) offsets(%dma_start3A_147 : memref<128xi32, #tpu.memory_space<vmem>>) semaphore(%arg16 : memref<!tpu.dma_semaphore, #tpu.memory_space<semaphore_mem>>)
    %dma_wait3A = arith.constant 0 : i32
    %dma_wait3A_150 = arith.constant 0 : i32
    %dma_wait3A_151 = arith.constant 0 : i32
    %dma_wait3A_152 = tpu.memref_slice %arg11[%dma_wait3A_150, %dma_wait3A_151] : memref<512x32xf32, #tpu.memory_space<vmem>> -> memref<128x32xf32, #tpu.memory_space<vmem>>
    %dma_wait3A_153 = arith.constant 0 : i32
    %dma_wait3A_154 = tpu.memref_slice %arg9[%dma_wait3A, %dma_wait3A_153] : memref<4x128xi32, #tpu.memory_space<vmem>> -> memref<1x128xi32, #tpu.memory_space<vmem>>
    %dma_wait3A_155 = tpu.memref_squeeze %dma_wait3A_154 : memref<1x128xi32, #tpu.memory_space<vmem>> -> memref<128xi32, #tpu.memory_space<vmem>>
    %dma_wait3A_156 = arith.constant 0 : i32
    %dma_wait3A_157 = arith.constant 0 : i32
    %dma_wait3A_158 = tpu.memref_slice %arg4[%dma_wait3A_156, %dma_wait3A_157] : memref<1000000x32xf32, #tpu.memory_space<hbm>> -> memref<1000000x32xf32, #tpu.memory_space<hbm>>
    tpu.wait_indirect_dma semaphore(%arg16 : memref<!tpu.dma_semaphore, #tpu.memory_space<semaphore_mem>>) src(%dma_wait3A_158 : memref<1000000x32xf32, #tpu.memory_space<hbm>>) dst(%dma_wait3A_152 : memref<128x32xf32, #tpu.memory_space<vmem>>)
    %dma_wait3A_159 = arith.constant 0 : i32
    %dma_wait3A_160 = arith.constant 0 : i32
    %dma_wait3A_161 = arith.constant 0 : i32
    %dma_wait3A_162 = tpu.memref_slice %arg12[%dma_wait3A_160, %dma_wait3A_161] : memref<512x32xf32, #tpu.memory_space<vmem>> -> memref<128x32xf32, #tpu.memory_space<vmem>>
    %dma_wait3A_163 = arith.constant 0 : i32
    %dma_wait3A_164 = tpu.memref_slice %arg10[%dma_wait3A_159, %dma_wait3A_163] : memref<4x128xi32, #tpu.memory_space<vmem>> -> memref<1x128xi32, #tpu.memory_space<vmem>>
    %dma_wait3A_165 = tpu.memref_squeeze %dma_wait3A_164 : memref<1x128xi32, #tpu.memory_space<vmem>> -> memref<128xi32, #tpu.memory_space<vmem>>
    %dma_wait3A_166 = arith.constant 0 : i32
    %dma_wait3A_167 = arith.constant 0 : i32
    %dma_wait3A_168 = tpu.memref_slice %arg5[%dma_wait3A_166, %dma_wait3A_167] : memref<1000000x32xf32, #tpu.memory_space<hbm>> -> memref<1000000x32xf32, #tpu.memory_space<hbm>>
    tpu.wait_indirect_dma semaphore(%arg16 : memref<!tpu.dma_semaphore, #tpu.memory_space<semaphore_mem>>) src(%dma_wait3A_168 : memref<1000000x32xf32, #tpu.memory_space<hbm>>) dst(%dma_wait3A_162 : memref<128x32xf32, #tpu.memory_space<vmem>>)
    %dma_wait3A_169 = arith.constant 0 : i32
    %dma_wait3A_170 = arith.constant 0 : i32
    %dma_wait3A_171 = tpu.memref_slice %arg13[%dma_wait3A_170] : memref<512xf32, #tpu.memory_space<vmem>> -> memref<128xf32, #tpu.memory_space<vmem>>
    %dma_wait3A_172 = arith.constant 0 : i32
    %dma_wait3A_173 = tpu.memref_slice %arg9[%dma_wait3A_169, %dma_wait3A_172] : memref<4x128xi32, #tpu.memory_space<vmem>> -> memref<1x128xi32, #tpu.memory_space<vmem>>
    %dma_wait3A_174 = tpu.memref_squeeze %dma_wait3A_173 : memref<1x128xi32, #tpu.memory_space<vmem>> -> memref<128xi32, #tpu.memory_space<vmem>>
    %dma_wait3A_175 = arith.constant 0 : i32
    %dma_wait3A_176 = tpu.memref_slice %arg6[%dma_wait3A_175] : memref<1000000xf32, #tpu.memory_space<hbm>> -> memref<1000000xf32, #tpu.memory_space<hbm>>
    tpu.wait_indirect_dma semaphore(%arg16 : memref<!tpu.dma_semaphore, #tpu.memory_space<semaphore_mem>>) src(%dma_wait3A_176 : memref<1000000xf32, #tpu.memory_space<hbm>>) dst(%dma_wait3A_171 : memref<128xf32, #tpu.memory_space<vmem>>)
    %dma_wait3A_177 = arith.constant 0 : i32
    %dma_wait3A_178 = arith.constant 0 : i32
    %dma_wait3A_179 = tpu.memref_slice %arg14[%dma_wait3A_178] : memref<512xf32, #tpu.memory_space<vmem>> -> memref<128xf32, #tpu.memory_space<vmem>>
    %dma_wait3A_180 = arith.constant 0 : i32
    %dma_wait3A_181 = tpu.memref_slice %arg10[%dma_wait3A_177, %dma_wait3A_180] : memref<4x128xi32, #tpu.memory_space<vmem>> -> memref<1x128xi32, #tpu.memory_space<vmem>>
    %dma_wait3A_182 = tpu.memref_squeeze %dma_wait3A_181 : memref<1x128xi32, #tpu.memory_space<vmem>> -> memref<128xi32, #tpu.memory_space<vmem>>
    %dma_wait3A_183 = arith.constant 0 : i32
    %dma_wait3A_184 = tpu.memref_slice %arg7[%dma_wait3A_183] : memref<1000000xf32, #tpu.memory_space<hbm>> -> memref<1000000xf32, #tpu.memory_space<hbm>>
    tpu.wait_indirect_dma semaphore(%arg16 : memref<!tpu.dma_semaphore, #tpu.memory_space<semaphore_mem>>) src(%dma_wait3A_184 : memref<1000000xf32, #tpu.memory_space<hbm>>) dst(%dma_wait3A_179 : memref<128xf32, #tpu.memory_space<vmem>>)
    %dma_wait3A_185 = arith.constant 1 : i32
    %dma_wait3A_186 = arith.constant 128 : i32
    %dma_wait3A_187 = arith.constant 0 : i32
    %dma_wait3A_188 = tpu.memref_slice %arg11[%dma_wait3A_186, %dma_wait3A_187] : memref<512x32xf32, #tpu.memory_space<vmem>> -> memref<128x32xf32, #tpu.memory_space<vmem>>
    %dma_wait3A_189 = arith.constant 0 : i32
    %dma_wait3A_190 = tpu.memref_slice %arg9[%dma_wait3A_185, %dma_wait3A_189] : memref<4x128xi32, #tpu.memory_space<vmem>> -> memref<1x128xi32, #tpu.memory_space<vmem>>
    %dma_wait3A_191 = tpu.memref_squeeze %dma_wait3A_190 : memref<1x128xi32, #tpu.memory_space<vmem>> -> memref<128xi32, #tpu.memory_space<vmem>>
    %dma_wait3A_192 = arith.constant 0 : i32
    %dma_wait3A_193 = arith.constant 0 : i32
    %dma_wait3A_194 = tpu.memref_slice %arg4[%dma_wait3A_192, %dma_wait3A_193] : memref<1000000x32xf32, #tpu.memory_space<hbm>> -> memref<1000000x32xf32, #tpu.memory_space<hbm>>
    tpu.wait_indirect_dma semaphore(%arg16 : memref<!tpu.dma_semaphore, #tpu.memory_space<semaphore_mem>>) src(%dma_wait3A_194 : memref<1000000x32xf32, #tpu.memory_space<hbm>>) dst(%dma_wait3A_188 : memref<128x32xf32, #tpu.memory_space<vmem>>)
    %dma_wait3A_195 = arith.constant 1 : i32
    %dma_wait3A_196 = arith.constant 128 : i32
    %dma_wait3A_197 = arith.constant 0 : i32
    %dma_wait3A_198 = tpu.memref_slice %arg12[%dma_wait3A_196, %dma_wait3A_197] : memref<512x32xf32, #tpu.memory_space<vmem>> -> memref<128x32xf32, #tpu.memory_space<vmem>>
    %dma_wait3A_199 = arith.constant 0 : i32
    %dma_wait3A_200 = tpu.memref_slice %arg10[%dma_wait3A_195, %dma_wait3A_199] : memref<4x128xi32, #tpu.memory_space<vmem>> -> memref<1x128xi32, #tpu.memory_space<vmem>>
    %dma_wait3A_201 = tpu.memref_squeeze %dma_wait3A_200 : memref<1x128xi32, #tpu.memory_space<vmem>> -> memref<128xi32, #tpu.memory_space<vmem>>
    %dma_wait3A_202 = arith.constant 0 : i32
    %dma_wait3A_203 = arith.constant 0 : i32
    %dma_wait3A_204 = tpu.memref_slice %arg5[%dma_wait3A_202, %dma_wait3A_203] : memref<1000000x32xf32, #tpu.memory_space<hbm>> -> memref<1000000x32xf32, #tpu.memory_space<hbm>>
    tpu.wait_indirect_dma semaphore(%arg16 : memref<!tpu.dma_semaphore, #tpu.memory_space<semaphore_mem>>) src(%dma_wait3A_204 : memref<1000000x32xf32, #tpu.memory_space<hbm>>) dst(%dma_wait3A_198 : memref<128x32xf32, #tpu.memory_space<vmem>>)
    %dma_wait3A_205 = arith.constant 1 : i32
    %dma_wait3A_206 = arith.constant 128 : i32
    %dma_wait3A_207 = tpu.memref_slice %arg13[%dma_wait3A_206] : memref<512xf32, #tpu.memory_space<vmem>> -> memref<128xf32, #tpu.memory_space<vmem>>
    %dma_wait3A_208 = arith.constant 0 : i32
    %dma_wait3A_209 = tpu.memref_slice %arg9[%dma_wait3A_205, %dma_wait3A_208] : memref<4x128xi32, #tpu.memory_space<vmem>> -> memref<1x128xi32, #tpu.memory_space<vmem>>
    %dma_wait3A_210 = tpu.memref_squeeze %dma_wait3A_209 : memref<1x128xi32, #tpu.memory_space<vmem>> -> memref<128xi32, #tpu.memory_space<vmem>>
    %dma_wait3A_211 = arith.constant 0 : i32
    %dma_wait3A_212 = tpu.memref_slice %arg6[%dma_wait3A_211] : memref<1000000xf32, #tpu.memory_space<hbm>> -> memref<1000000xf32, #tpu.memory_space<hbm>>
    tpu.wait_indirect_dma semaphore(%arg16 : memref<!tpu.dma_semaphore, #tpu.memory_space<semaphore_mem>>) src(%dma_wait3A_212 : memref<1000000xf32, #tpu.memory_space<hbm>>) dst(%dma_wait3A_207 : memref<128xf32, #tpu.memory_space<vmem>>)
    %dma_wait3A_213 = arith.constant 1 : i32
    %dma_wait3A_214 = arith.constant 128 : i32
    %dma_wait3A_215 = tpu.memref_slice %arg14[%dma_wait3A_214] : memref<512xf32, #tpu.memory_space<vmem>> -> memref<128xf32, #tpu.memory_space<vmem>>
    %dma_wait3A_216 = arith.constant 0 : i32
    %dma_wait3A_217 = tpu.memref_slice %arg10[%dma_wait3A_213, %dma_wait3A_216] : memref<4x128xi32, #tpu.memory_space<vmem>> -> memref<1x128xi32, #tpu.memory_space<vmem>>
    %dma_wait3A_218 = tpu.memref_squeeze %dma_wait3A_217 : memref<1x128xi32, #tpu.memory_space<vmem>> -> memref<128xi32, #tpu.memory_space<vmem>>
    %dma_wait3A_219 = arith.constant 0 : i32
    %dma_wait3A_220 = tpu.memref_slice %arg7[%dma_wait3A_219] : memref<1000000xf32, #tpu.memory_space<hbm>> -> memref<1000000xf32, #tpu.memory_space<hbm>>
    tpu.wait_indirect_dma semaphore(%arg16 : memref<!tpu.dma_semaphore, #tpu.memory_space<semaphore_mem>>) src(%dma_wait3A_220 : memref<1000000xf32, #tpu.memory_space<hbm>>) dst(%dma_wait3A_215 : memref<128xf32, #tpu.memory_space<vmem>>)
    %dma_wait3A_221 = arith.constant 2 : i32
    %dma_wait3A_222 = arith.constant 256 : i32
    %dma_wait3A_223 = arith.constant 0 : i32
    %dma_wait3A_224 = tpu.memref_slice %arg11[%dma_wait3A_222, %dma_wait3A_223] : memref<512x32xf32, #tpu.memory_space<vmem>> -> memref<128x32xf32, #tpu.memory_space<vmem>>
    %dma_wait3A_225 = arith.constant 0 : i32
    %dma_wait3A_226 = tpu.memref_slice %arg9[%dma_wait3A_221, %dma_wait3A_225] : memref<4x128xi32, #tpu.memory_space<vmem>> -> memref<1x128xi32, #tpu.memory_space<vmem>>
    %dma_wait3A_227 = tpu.memref_squeeze %dma_wait3A_226 : memref<1x128xi32, #tpu.memory_space<vmem>> -> memref<128xi32, #tpu.memory_space<vmem>>
    %dma_wait3A_228 = arith.constant 0 : i32
    %dma_wait3A_229 = arith.constant 0 : i32
    %dma_wait3A_230 = tpu.memref_slice %arg4[%dma_wait3A_228, %dma_wait3A_229] : memref<1000000x32xf32, #tpu.memory_space<hbm>> -> memref<1000000x32xf32, #tpu.memory_space<hbm>>
    tpu.wait_indirect_dma semaphore(%arg16 : memref<!tpu.dma_semaphore, #tpu.memory_space<semaphore_mem>>) src(%dma_wait3A_230 : memref<1000000x32xf32, #tpu.memory_space<hbm>>) dst(%dma_wait3A_224 : memref<128x32xf32, #tpu.memory_space<vmem>>)
    %dma_wait3A_231 = arith.constant 2 : i32
    %dma_wait3A_232 = arith.constant 256 : i32
    %dma_wait3A_233 = arith.constant 0 : i32
    %dma_wait3A_234 = tpu.memref_slice %arg12[%dma_wait3A_232, %dma_wait3A_233] : memref<512x32xf32, #tpu.memory_space<vmem>> -> memref<128x32xf32, #tpu.memory_space<vmem>>
    %dma_wait3A_235 = arith.constant 0 : i32
    %dma_wait3A_236 = tpu.memref_slice %arg10[%dma_wait3A_231, %dma_wait3A_235] : memref<4x128xi32, #tpu.memory_space<vmem>> -> memref<1x128xi32, #tpu.memory_space<vmem>>
    %dma_wait3A_237 = tpu.memref_squeeze %dma_wait3A_236 : memref<1x128xi32, #tpu.memory_space<vmem>> -> memref<128xi32, #tpu.memory_space<vmem>>
    %dma_wait3A_238 = arith.constant 0 : i32
    %dma_wait3A_239 = arith.constant 0 : i32
    %dma_wait3A_240 = tpu.memref_slice %arg5[%dma_wait3A_238, %dma_wait3A_239] : memref<1000000x32xf32, #tpu.memory_space<hbm>> -> memref<1000000x32xf32, #tpu.memory_space<hbm>>
    tpu.wait_indirect_dma semaphore(%arg16 : memref<!tpu.dma_semaphore, #tpu.memory_space<semaphore_mem>>) src(%dma_wait3A_240 : memref<1000000x32xf32, #tpu.memory_space<hbm>>) dst(%dma_wait3A_234 : memref<128x32xf32, #tpu.memory_space<vmem>>)
    %dma_wait3A_241 = arith.constant 2 : i32
    %dma_wait3A_242 = arith.constant 256 : i32
    %dma_wait3A_243 = tpu.memref_slice %arg13[%dma_wait3A_242] : memref<512xf32, #tpu.memory_space<vmem>> -> memref<128xf32, #tpu.memory_space<vmem>>
    %dma_wait3A_244 = arith.constant 0 : i32
    %dma_wait3A_245 = tpu.memref_slice %arg9[%dma_wait3A_241, %dma_wait3A_244] : memref<4x128xi32, #tpu.memory_space<vmem>> -> memref<1x128xi32, #tpu.memory_space<vmem>>
    %dma_wait3A_246 = tpu.memref_squeeze %dma_wait3A_245 : memref<1x128xi32, #tpu.memory_space<vmem>> -> memref<128xi32, #tpu.memory_space<vmem>>
    %dma_wait3A_247 = arith.constant 0 : i32
    %dma_wait3A_248 = tpu.memref_slice %arg6[%dma_wait3A_247] : memref<1000000xf32, #tpu.memory_space<hbm>> -> memref<1000000xf32, #tpu.memory_space<hbm>>
    tpu.wait_indirect_dma semaphore(%arg16 : memref<!tpu.dma_semaphore, #tpu.memory_space<semaphore_mem>>) src(%dma_wait3A_248 : memref<1000000xf32, #tpu.memory_space<hbm>>) dst(%dma_wait3A_243 : memref<128xf32, #tpu.memory_space<vmem>>)
    %dma_wait3A_249 = arith.constant 2 : i32
    %dma_wait3A_250 = arith.constant 256 : i32
    %dma_wait3A_251 = tpu.memref_slice %arg14[%dma_wait3A_250] : memref<512xf32, #tpu.memory_space<vmem>> -> memref<128xf32, #tpu.memory_space<vmem>>
    %dma_wait3A_252 = arith.constant 0 : i32
    %dma_wait3A_253 = tpu.memref_slice %arg10[%dma_wait3A_249, %dma_wait3A_252] : memref<4x128xi32, #tpu.memory_space<vmem>> -> memref<1x128xi32, #tpu.memory_space<vmem>>
    %dma_wait3A_254 = tpu.memref_squeeze %dma_wait3A_253 : memref<1x128xi32, #tpu.memory_space<vmem>> -> memref<128xi32, #tpu.memory_space<vmem>>
    %dma_wait3A_255 = arith.constant 0 : i32
    %dma_wait3A_256 = tpu.memref_slice %arg7[%dma_wait3A_255] : memref<1000000xf32, #tpu.memory_space<hbm>> -> memref<1000000xf32, #tpu.memory_space<hbm>>
    tpu.wait_indirect_dma semaphore(%arg16 : memref<!tpu.dma_semaphore, #tpu.memory_space<semaphore_mem>>) src(%dma_wait3A_256 : memref<1000000xf32, #tpu.memory_space<hbm>>) dst(%dma_wait3A_251 : memref<128xf32, #tpu.memory_space<vmem>>)
    %dma_wait3A_257 = arith.constant 3 : i32
    %dma_wait3A_258 = arith.constant 384 : i32
    %dma_wait3A_259 = arith.constant 0 : i32
    %dma_wait3A_260 = tpu.memref_slice %arg11[%dma_wait3A_258, %dma_wait3A_259] : memref<512x32xf32, #tpu.memory_space<vmem>> -> memref<128x32xf32, #tpu.memory_space<vmem>>
    %dma_wait3A_261 = arith.constant 0 : i32
    %dma_wait3A_262 = tpu.memref_slice %arg9[%dma_wait3A_257, %dma_wait3A_261] : memref<4x128xi32, #tpu.memory_space<vmem>> -> memref<1x128xi32, #tpu.memory_space<vmem>>
    %dma_wait3A_263 = tpu.memref_squeeze %dma_wait3A_262 : memref<1x128xi32, #tpu.memory_space<vmem>> -> memref<128xi32, #tpu.memory_space<vmem>>
    %dma_wait3A_264 = arith.constant 0 : i32
    %dma_wait3A_265 = arith.constant 0 : i32
    %dma_wait3A_266 = tpu.memref_slice %arg4[%dma_wait3A_264, %dma_wait3A_265] : memref<1000000x32xf32, #tpu.memory_space<hbm>> -> memref<1000000x32xf32, #tpu.memory_space<hbm>>
    tpu.wait_indirect_dma semaphore(%arg16 : memref<!tpu.dma_semaphore, #tpu.memory_space<semaphore_mem>>) src(%dma_wait3A_266 : memref<1000000x32xf32, #tpu.memory_space<hbm>>) dst(%dma_wait3A_260 : memref<128x32xf32, #tpu.memory_space<vmem>>)
    %dma_wait3A_267 = arith.constant 3 : i32
    %dma_wait3A_268 = arith.constant 384 : i32
    %dma_wait3A_269 = arith.constant 0 : i32
    %dma_wait3A_270 = tpu.memref_slice %arg12[%dma_wait3A_268, %dma_wait3A_269] : memref<512x32xf32, #tpu.memory_space<vmem>> -> memref<128x32xf32, #tpu.memory_space<vmem>>
    %dma_wait3A_271 = arith.constant 0 : i32
    %dma_wait3A_272 = tpu.memref_slice %arg10[%dma_wait3A_267, %dma_wait3A_271] : memref<4x128xi32, #tpu.memory_space<vmem>> -> memref<1x128xi32, #tpu.memory_space<vmem>>
    %dma_wait3A_273 = tpu.memref_squeeze %dma_wait3A_272 : memref<1x128xi32, #tpu.memory_space<vmem>> -> memref<128xi32, #tpu.memory_space<vmem>>
    %dma_wait3A_274 = arith.constant 0 : i32
    %dma_wait3A_275 = arith.constant 0 : i32
    %dma_wait3A_276 = tpu.memref_slice %arg5[%dma_wait3A_274, %dma_wait3A_275] : memref<1000000x32xf32, #tpu.memory_space<hbm>> -> memref<1000000x32xf32, #tpu.memory_space<hbm>>
    tpu.wait_indirect_dma semaphore(%arg16 : memref<!tpu.dma_semaphore, #tpu.memory_space<semaphore_mem>>) src(%dma_wait3A_276 : memref<1000000x32xf32, #tpu.memory_space<hbm>>) dst(%dma_wait3A_270 : memref<128x32xf32, #tpu.memory_space<vmem>>)
    %dma_wait3A_277 = arith.constant 3 : i32
    %dma_wait3A_278 = arith.constant 384 : i32
    %dma_wait3A_279 = tpu.memref_slice %arg13[%dma_wait3A_278] : memref<512xf32, #tpu.memory_space<vmem>> -> memref<128xf32, #tpu.memory_space<vmem>>
    %dma_wait3A_280 = arith.constant 0 : i32
    %dma_wait3A_281 = tpu.memref_slice %arg9[%dma_wait3A_277, %dma_wait3A_280] : memref<4x128xi32, #tpu.memory_space<vmem>> -> memref<1x128xi32, #tpu.memory_space<vmem>>
    %dma_wait3A_282 = tpu.memref_squeeze %dma_wait3A_281 : memref<1x128xi32, #tpu.memory_space<vmem>> -> memref<128xi32, #tpu.memory_space<vmem>>
    %dma_wait3A_283 = arith.constant 0 : i32
    %dma_wait3A_284 = tpu.memref_slice %arg6[%dma_wait3A_283] : memref<1000000xf32, #tpu.memory_space<hbm>> -> memref<1000000xf32, #tpu.memory_space<hbm>>
    tpu.wait_indirect_dma semaphore(%arg16 : memref<!tpu.dma_semaphore, #tpu.memory_space<semaphore_mem>>) src(%dma_wait3A_284 : memref<1000000xf32, #tpu.memory_space<hbm>>) dst(%dma_wait3A_279 : memref<128xf32, #tpu.memory_space<vmem>>)
    %dma_wait3A_285 = arith.constant 3 : i32
    %dma_wait3A_286 = arith.constant 384 : i32
    %dma_wait3A_287 = tpu.memref_slice %arg14[%dma_wait3A_286] : memref<512xf32, #tpu.memory_space<vmem>> -> memref<128xf32, #tpu.memory_space<vmem>>
    %dma_wait3A_288 = arith.constant 0 : i32
    %dma_wait3A_289 = tpu.memref_slice %arg10[%dma_wait3A_285, %dma_wait3A_288] : memref<4x128xi32, #tpu.memory_space<vmem>> -> memref<1x128xi32, #tpu.memory_space<vmem>>
    %dma_wait3A_290 = tpu.memref_squeeze %dma_wait3A_289 : memref<1x128xi32, #tpu.memory_space<vmem>> -> memref<128xi32, #tpu.memory_space<vmem>>
    %dma_wait3A_291 = arith.constant 0 : i32
    %dma_wait3A_292 = tpu.memref_slice %arg7[%dma_wait3A_291] : memref<1000000xf32, #tpu.memory_space<hbm>> -> memref<1000000xf32, #tpu.memory_space<hbm>>
    tpu.wait_indirect_dma semaphore(%arg16 : memref<!tpu.dma_semaphore, #tpu.memory_space<semaphore_mem>>) src(%dma_wait3A_292 : memref<1000000xf32, #tpu.memory_space<hbm>>) dst(%dma_wait3A_287 : memref<128xf32, #tpu.memory_space<vmem>>)
    %iota3A = tpu.iota {dimensions = array<i32: 0>} : vector<16xi32>
    %scan3A = arith.constant 0 : i32
    %scan3A_293 = arith.constant 0 : i32
    %scan3A_294 = arith.constant 32 : i32
    %scan3A_295 = arith.addi %scan3A_293, %scan3A_294 : i32
    %scan3A_296 = arith.constant 1 : i32
    scf.for %scan3A_298 = %scan3A_293 to %scan3A_295 step %scan3A_296  : i32 {
      %mul3A_299 = arith.constant 16 : i32
      %mul3A_300 = arith.muli %scan3A_298, %mul3A_299 : i32
      %add3A_301 = vector.broadcast %mul3A_300 : i32 to vector<16xi32>
      %add3A_302 = arith.addi %add3A_301, %iota3A : vector<16xi32>
      %mul3A_303 = arith.constant 16 : i32
      %mul3A_304 = arith.muli %scan3A_298, %mul3A_303 : i32
      %get3A = arith.index_cast %mul3A_304 : i32 to index
      %get3A_305 = tpu.vector_load %arg13[%get3A] {strides = array<i32>} : memref<512xf32, #tpu.memory_space<vmem>>, vector<16xf32>,
      %get3A_306 = arith.index_cast %mul3A_304 : i32 to index
      %get3A_307 = tpu.vector_load %arg14[%get3A_306] {strides = array<i32>} : memref<512xf32, #tpu.memory_space<vmem>>, vector<16xf32>,
      %add3A_308 = arith.addf %get3A_305, %get3A_307 : vector<16xf32>
      %add3A_309 = arith.constant 3.500000e+00 : f32
      %add3A_310 = vector.broadcast %add3A_309 : f32 to vector<16xf32>
      %add3A_311 = arith.addf %add3A_308, %add3A_310 : vector<16xf32>
      %broadcast_in_dim3A = arith.constant 0 : i32
      %broadcast_in_dim3A_312 = vector.broadcast %broadcast_in_dim3A : i32 to vector<16xi32>
      %gather3A = tpu.vector_load_idx %arg11[%add3A_302, %broadcast_in_dim3A_312] : memref<512x32xf32, #tpu.memory_space<vmem>>[vector<16xi32>, vector<16xi32>], vector<16xf32>,
      %gather3A_313 = tpu.vector_load_idx %arg12[%add3A_302, %broadcast_in_dim3A_312] : memref<512x32xf32, #tpu.memory_space<vmem>>[vector<16xi32>, vector<16xi32>], vector<16xf32>,
      %mul3A_314 = arith.mulf %gather3A, %gather3A_313 : vector<16xf32>
      %add3A_315 = arith.addf %add3A_311, %mul3A_314 : vector<16xf32>
      %broadcast_in_dim3A_316 = arith.constant 1 : i32
      %broadcast_in_dim3A_317 = vector.broadcast %broadcast_in_dim3A_316 : i32 to vector<16xi32>
      %gather3A_318 = tpu.vector_load_idx %arg11[%add3A_302, %broadcast_in_dim3A_317] : memref<512x32xf32, #tpu.memory_space<vmem>>[vector<16xi32>, vector<16xi32>], vector<16xf32>,
      %gather3A_319 = tpu.vector_load_idx %arg12[%add3A_302, %broadcast_in_dim3A_317] : memref<512x32xf32, #tpu.memory_space<vmem>>[vector<16xi32>, vector<16xi32>], vector<16xf32>,
      %mul3A_320 = arith.mulf %gather3A_318, %gather3A_319 : vector<16xf32>
      %add3A_321 = arith.addf %add3A_315, %mul3A_320 : vector<16xf32>
      %broadcast_in_dim3A_322 = arith.constant 2 : i32
      %broadcast_in_dim3A_323 = vector.broadcast %broadcast_in_dim3A_322 : i32 to vector<16xi32>
      %gather3A_324 = tpu.vector_load_idx %arg11[%add3A_302, %broadcast_in_dim3A_323] : memref<512x32xf32, #tpu.memory_space<vmem>>[vector<16xi32>, vector<16xi32>], vector<16xf32>,
      %gather3A_325 = tpu.vector_load_idx %arg12[%add3A_302, %broadcast_in_dim3A_323] : memref<512x32xf32, #tpu.memory_space<vmem>>[vector<16xi32>, vector<16xi32>], vector<16xf32>,
      %mul3A_326 = arith.mulf %gather3A_324, %gather3A_325 : vector<16xf32>
      %add3A_327 = arith.addf %add3A_321, %mul3A_326 : vector<16xf32>
      %broadcast_in_dim3A_328 = arith.constant 3 : i32
      %broadcast_in_dim3A_329 = vector.broadcast %broadcast_in_dim3A_328 : i32 to vector<16xi32>
      %gather3A_330 = tpu.vector_load_idx %arg11[%add3A_302, %broadcast_in_dim3A_329] : memref<512x32xf32, #tpu.memory_space<vmem>>[vector<16xi32>, vector<16xi32>], vector<16xf32>,
      %gather3A_331 = tpu.vector_load_idx %arg12[%add3A_302, %broadcast_in_dim3A_329] : memref<512x32xf32, #tpu.memory_space<vmem>>[vector<16xi32>, vector<16xi32>], vector<16xf32>,
      %mul3A_332 = arith.mulf %gather3A_330, %gather3A_331 : vector<16xf32>
      %add3A_333 = arith.addf %add3A_327, %mul3A_332 : vector<16xf32>
      %broadcast_in_dim3A_334 = arith.constant 4 : i32
      %broadcast_in_dim3A_335 = vector.broadcast %broadcast_in_dim3A_334 : i32 to vector<16xi32>
      %gather3A_336 = tpu.vector_load_idx %arg11[%add3A_302, %broadcast_in_dim3A_335] : memref<512x32xf32, #tpu.memory_space<vmem>>[vector<16xi32>, vector<16xi32>], vector<16xf32>,
      %gather3A_337 = tpu.vector_load_idx %arg12[%add3A_302, %broadcast_in_dim3A_335] : memref<512x32xf32, #tpu.memory_space<vmem>>[vector<16xi32>, vector<16xi32>], vector<16xf32>,
      %mul3A_338 = arith.mulf %gather3A_336, %gather3A_337 : vector<16xf32>
      %add3A_339 = arith.addf %add3A_333, %mul3A_338 : vector<16xf32>
      %broadcast_in_dim3A_340 = arith.constant 5 : i32
      %broadcast_in_dim3A_341 = vector.broadcast %broadcast_in_dim3A_340 : i32 to vector<16xi32>
      %gather3A_342 = tpu.vector_load_idx %arg11[%add3A_302, %broadcast_in_dim3A_341] : memref<512x32xf32, #tpu.memory_space<vmem>>[vector<16xi32>, vector<16xi32>], vector<16xf32>,
      %gather3A_343 = tpu.vector_load_idx %arg12[%add3A_302, %broadcast_in_dim3A_341] : memref<512x32xf32, #tpu.memory_space<vmem>>[vector<16xi32>, vector<16xi32>], vector<16xf32>,
      %mul3A_344 = arith.mulf %gather3A_342, %gather3A_343 : vector<16xf32>
      %add3A_345 = arith.addf %add3A_339, %mul3A_344 : vector<16xf32>
      %broadcast_in_dim3A_346 = arith.constant 6 : i32
      %broadcast_in_dim3A_347 = vector.broadcast %broadcast_in_dim3A_346 : i32 to vector<16xi32>
      %gather3A_348 = tpu.vector_load_idx %arg11[%add3A_302, %broadcast_in_dim3A_347] : memref<512x32xf32, #tpu.memory_space<vmem>>[vector<16xi32>, vector<16xi32>], vector<16xf32>,
      %gather3A_349 = tpu.vector_load_idx %arg12[%add3A_302, %broadcast_in_dim3A_347] : memref<512x32xf32, #tpu.memory_space<vmem>>[vector<16xi32>, vector<16xi32>], vector<16xf32>,
      %mul3A_350 = arith.mulf %gather3A_348, %gather3A_349 : vector<16xf32>
      %add3A_351 = arith.addf %add3A_345, %mul3A_350 : vector<16xf32>
      %broadcast_in_dim3A_352 = arith.constant 7 : i32
      %broadcast_in_dim3A_353 = vector.broadcast %broadcast_in_dim3A_352 : i32 to vector<16xi32>
      %gather3A_354 = tpu.vector_load_idx %arg11[%add3A_302, %broadcast_in_dim3A_353] : memref<512x32xf32, #tpu.memory_space<vmem>>[vector<16xi32>, vector<16xi32>], vector<16xf32>,
      %gather3A_355 = tpu.vector_load_idx %arg12[%add3A_302, %broadcast_in_dim3A_353] : memref<512x32xf32, #tpu.memory_space<vmem>>[vector<16xi32>, vector<16xi32>], vector<16xf32>,
      %mul3A_356 = arith.mulf %gather3A_354, %gather3A_355 : vector<16xf32>
      %add3A_357 = arith.addf %add3A_351, %mul3A_356 : vector<16xf32>
      %broadcast_in_dim3A_358 = arith.constant 8 : i32
      %broadcast_in_dim3A_359 = vector.broadcast %broadcast_in_dim3A_358 : i32 to vector<16xi32>
      %gather3A_360 = tpu.vector_load_idx %arg11[%add3A_302, %broadcast_in_dim3A_359] : memref<512x32xf32, #tpu.memory_space<vmem>>[vector<16xi32>, vector<16xi32>], vector<16xf32>,
      %gather3A_361 = tpu.vector_load_idx %arg12[%add3A_302, %broadcast_in_dim3A_359] : memref<512x32xf32, #tpu.memory_space<vmem>>[vector<16xi32>, vector<16xi32>], vector<16xf32>,
      %mul3A_362 = arith.mulf %gather3A_360, %gather3A_361 : vector<16xf32>
      %add3A_363 = arith.addf %add3A_357, %mul3A_362 : vector<16xf32>
      %broadcast_in_dim3A_364 = arith.constant 9 : i32
      %broadcast_in_dim3A_365 = vector.broadcast %broadcast_in_dim3A_364 : i32 to vector<16xi32>
      %gather3A_366 = tpu.vector_load_idx %arg11[%add3A_302, %broadcast_in_dim3A_365] : memref<512x32xf32, #tpu.memory_space<vmem>>[vector<16xi32>, vector<16xi32>], vector<16xf32>,
      %gather3A_367 = tpu.vector_load_idx %arg12[%add3A_302, %broadcast_in_dim3A_365] : memref<512x32xf32, #tpu.memory_space<vmem>>[vector<16xi32>, vector<16xi32>], vector<16xf32>,
      %mul3A_368 = arith.mulf %gather3A_366, %gather3A_367 : vector<16xf32>
      %add3A_369 = arith.addf %add3A_363, %mul3A_368 : vector<16xf32>
      %broadcast_in_dim3A_370 = arith.constant 10 : i32
      %broadcast_in_dim3A_371 = vector.broadcast %broadcast_in_dim3A_370 : i32 to vector<16xi32>
      %gather3A_372 = tpu.vector_load_idx %arg11[%add3A_302, %broadcast_in_dim3A_371] : memref<512x32xf32, #tpu.memory_space<vmem>>[vector<16xi32>, vector<16xi32>], vector<16xf32>,
      %gather3A_373 = tpu.vector_load_idx %arg12[%add3A_302, %broadcast_in_dim3A_371] : memref<512x32xf32, #tpu.memory_space<vmem>>[vector<16xi32>, vector<16xi32>], vector<16xf32>,
      %mul3A_374 = arith.mulf %gather3A_372, %gather3A_373 : vector<16xf32>
      %add3A_375 = arith.addf %add3A_369, %mul3A_374 : vector<16xf32>
      %broadcast_in_dim3A_376 = arith.constant 11 : i32
      %broadcast_in_dim3A_377 = vector.broadcast %broadcast_in_dim3A_376 : i32 to vector<16xi32>
      %gather3A_378 = tpu.vector_load_idx %arg11[%add3A_302, %broadcast_in_dim3A_377] : memref<512x32xf32, #tpu.memory_space<vmem>>[vector<16xi32>, vector<16xi32>], vector<16xf32>,
      %gather3A_379 = tpu.vector_load_idx %arg12[%add3A_302, %broadcast_in_dim3A_377] : memref<512x32xf32, #tpu.memory_space<vmem>>[vector<16xi32>, vector<16xi32>], vector<16xf32>,
      %mul3A_380 = arith.mulf %gather3A_378, %gather3A_379 : vector<16xf32>
      %add3A_381 = arith.addf %add3A_375, %mul3A_380 : vector<16xf32>
      %broadcast_in_dim3A_382 = arith.constant 12 : i32
      %broadcast_in_dim3A_383 = vector.broadcast %broadcast_in_dim3A_382 : i32 to vector<16xi32>
      %gather3A_384 = tpu.vector_load_idx %arg11[%add3A_302, %broadcast_in_dim3A_383] : memref<512x32xf32, #tpu.memory_space<vmem>>[vector<16xi32>, vector<16xi32>], vector<16xf32>,
      %gather3A_385 = tpu.vector_load_idx %arg12[%add3A_302, %broadcast_in_dim3A_383] : memref<512x32xf32, #tpu.memory_space<vmem>>[vector<16xi32>, vector<16xi32>], vector<16xf32>,
      %mul3A_386 = arith.mulf %gather3A_384, %gather3A_385 : vector<16xf32>
      %add3A_387 = arith.addf %add3A_381, %mul3A_386 : vector<16xf32>
      %broadcast_in_dim3A_388 = arith.constant 13 : i32
      %broadcast_in_dim3A_389 = vector.broadcast %broadcast_in_dim3A_388 : i32 to vector<16xi32>
      %gather3A_390 = tpu.vector_load_idx %arg11[%add3A_302, %broadcast_in_dim3A_389] : memref<512x32xf32, #tpu.memory_space<vmem>>[vector<16xi32>, vector<16xi32>], vector<16xf32>,
      %gather3A_391 = tpu.vector_load_idx %arg12[%add3A_302, %broadcast_in_dim3A_389] : memref<512x32xf32, #tpu.memory_space<vmem>>[vector<16xi32>, vector<16xi32>], vector<16xf32>,
      %mul3A_392 = arith.mulf %gather3A_390, %gather3A_391 : vector<16xf32>
      %add3A_393 = arith.addf %add3A_387, %mul3A_392 : vector<16xf32>
      %broadcast_in_dim3A_394 = arith.constant 14 : i32
      %broadcast_in_dim3A_395 = vector.broadcast %broadcast_in_dim3A_394 : i32 to vector<16xi32>
      %gather3A_396 = tpu.vector_load_idx %arg11[%add3A_302, %broadcast_in_dim3A_395] : memref<512x32xf32, #tpu.memory_space<vmem>>[vector<16xi32>, vector<16xi32>], vector<16xf32>,
      %gather3A_397 = tpu.vector_load_idx %arg12[%add3A_302, %broadcast_in_dim3A_395] : memref<512x32xf32, #tpu.memory_space<vmem>>[vector<16xi32>, vector<16xi32>], vector<16xf32>,
      %mul3A_398 = arith.mulf %gather3A_396, %gather3A_397 : vector<16xf32>
      %add3A_399 = arith.addf %add3A_393, %mul3A_398 : vector<16xf32>
      %broadcast_in_dim3A_400 = arith.constant 15 : i32
      %broadcast_in_dim3A_401 = vector.broadcast %broadcast_in_dim3A_400 : i32 to vector<16xi32>
      %gather3A_402 = tpu.vector_load_idx %arg11[%add3A_302, %broadcast_in_dim3A_401] : memref<512x32xf32, #tpu.memory_space<vmem>>[vector<16xi32>, vector<16xi32>], vector<16xf32>,
      %gather3A_403 = tpu.vector_load_idx %arg12[%add3A_302, %broadcast_in_dim3A_401] : memref<512x32xf32, #tpu.memory_space<vmem>>[vector<16xi32>, vector<16xi32>], vector<16xf32>,
      %mul3A_404 = arith.mulf %gather3A_402, %gather3A_403 : vector<16xf32>
      %add3A_405 = arith.addf %add3A_399, %mul3A_404 : vector<16xf32>
      %broadcast_in_dim3A_406 = arith.constant 16 : i32
      %broadcast_in_dim3A_407 = vector.broadcast %broadcast_in_dim3A_406 : i32 to vector<16xi32>
      %gather3A_408 = tpu.vector_load_idx %arg11[%add3A_302, %broadcast_in_dim3A_407] : memref<512x32xf32, #tpu.memory_space<vmem>>[vector<16xi32>, vector<16xi32>], vector<16xf32>,
      %gather3A_409 = tpu.vector_load_idx %arg12[%add3A_302, %broadcast_in_dim3A_407] : memref<512x32xf32, #tpu.memory_space<vmem>>[vector<16xi32>, vector<16xi32>], vector<16xf32>,
      %mul3A_410 = arith.mulf %gather3A_408, %gather3A_409 : vector<16xf32>
      %add3A_411 = arith.addf %add3A_405, %mul3A_410 : vector<16xf32>
      %broadcast_in_dim3A_412 = arith.constant 17 : i32
      %broadcast_in_dim3A_413 = vector.broadcast %broadcast_in_dim3A_412 : i32 to vector<16xi32>
      %gather3A_414 = tpu.vector_load_idx %arg11[%add3A_302, %broadcast_in_dim3A_413] : memref<512x32xf32, #tpu.memory_space<vmem>>[vector<16xi32>, vector<16xi32>], vector<16xf32>,
      %gather3A_415 = tpu.vector_load_idx %arg12[%add3A_302, %broadcast_in_dim3A_413] : memref<512x32xf32, #tpu.memory_space<vmem>>[vector<16xi32>, vector<16xi32>], vector<16xf32>,
      %mul3A_416 = arith.mulf %gather3A_414, %gather3A_415 : vector<16xf32>
      %add3A_417 = arith.addf %add3A_411, %mul3A_416 : vector<16xf32>
      %broadcast_in_dim3A_418 = arith.constant 18 : i32
      %broadcast_in_dim3A_419 = vector.broadcast %broadcast_in_dim3A_418 : i32 to vector<16xi32>
      %gather3A_420 = tpu.vector_load_idx %arg11[%add3A_302, %broadcast_in_dim3A_419] : memref<512x32xf32, #tpu.memory_space<vmem>>[vector<16xi32>, vector<16xi32>], vector<16xf32>,
      %gather3A_421 = tpu.vector_load_idx %arg12[%add3A_302, %broadcast_in_dim3A_419] : memref<512x32xf32, #tpu.memory_space<vmem>>[vector<16xi32>, vector<16xi32>], vector<16xf32>,
      %mul3A_422 = arith.mulf %gather3A_420, %gather3A_421 : vector<16xf32>
      %add3A_423 = arith.addf %add3A_417, %mul3A_422 : vector<16xf32>
      %broadcast_in_dim3A_424 = arith.constant 19 : i32
      %broadcast_in_dim3A_425 = vector.broadcast %broadcast_in_dim3A_424 : i32 to vector<16xi32>
      %gather3A_426 = tpu.vector_load_idx %arg11[%add3A_302, %broadcast_in_dim3A_425] : memref<512x32xf32, #tpu.memory_space<vmem>>[vector<16xi32>, vector<16xi32>], vector<16xf32>,
      %gather3A_427 = tpu.vector_load_idx %arg12[%add3A_302, %broadcast_in_dim3A_425] : memref<512x32xf32, #tpu.memory_space<vmem>>[vector<16xi32>, vector<16xi32>], vector<16xf32>,
      %mul3A_428 = arith.mulf %gather3A_426, %gather3A_427 : vector<16xf32>
      %add3A_429 = arith.addf %add3A_423, %mul3A_428 : vector<16xf32>
      %broadcast_in_dim3A_430 = arith.constant 20 : i32
      %broadcast_in_dim3A_431 = vector.broadcast %broadcast_in_dim3A_430 : i32 to vector<16xi32>
      %gather3A_432 = tpu.vector_load_idx %arg11[%add3A_302, %broadcast_in_dim3A_431] : memref<512x32xf32, #tpu.memory_space<vmem>>[vector<16xi32>, vector<16xi32>], vector<16xf32>,
      %gather3A_433 = tpu.vector_load_idx %arg12[%add3A_302, %broadcast_in_dim3A_431] : memref<512x32xf32, #tpu.memory_space<vmem>>[vector<16xi32>, vector<16xi32>], vector<16xf32>,
      %mul3A_434 = arith.mulf %gather3A_432, %gather3A_433 : vector<16xf32>
      %add3A_435 = arith.addf %add3A_429, %mul3A_434 : vector<16xf32>
      %broadcast_in_dim3A_436 = arith.constant 21 : i32
      %broadcast_in_dim3A_437 = vector.broadcast %broadcast_in_dim3A_436 : i32 to vector<16xi32>
      %gather3A_438 = tpu.vector_load_idx %arg11[%add3A_302, %broadcast_in_dim3A_437] : memref<512x32xf32, #tpu.memory_space<vmem>>[vector<16xi32>, vector<16xi32>], vector<16xf32>,
      %gather3A_439 = tpu.vector_load_idx %arg12[%add3A_302, %broadcast_in_dim3A_437] : memref<512x32xf32, #tpu.memory_space<vmem>>[vector<16xi32>, vector<16xi32>], vector<16xf32>,
      %mul3A_440 = arith.mulf %gather3A_438, %gather3A_439 : vector<16xf32>
      %add3A_441 = arith.addf %add3A_435, %mul3A_440 : vector<16xf32>
      %broadcast_in_dim3A_442 = arith.constant 22 : i32
      %broadcast_in_dim3A_443 = vector.broadcast %broadcast_in_dim3A_442 : i32 to vector<16xi32>
      %gather3A_444 = tpu.vector_load_idx %arg11[%add3A_302, %broadcast_in_dim3A_443] : memref<512x32xf32, #tpu.memory_space<vmem>>[vector<16xi32>, vector<16xi32>], vector<16xf32>,
      %gather3A_445 = tpu.vector_load_idx %arg12[%add3A_302, %broadcast_in_dim3A_443] : memref<512x32xf32, #tpu.memory_space<vmem>>[vector<16xi32>, vector<16xi32>], vector<16xf32>,
      %mul3A_446 = arith.mulf %gather3A_444, %gather3A_445 : vector<16xf32>
      %add3A_447 = arith.addf %add3A_441, %mul3A_446 : vector<16xf32>
      %broadcast_in_dim3A_448 = arith.constant 23 : i32
      %broadcast_in_dim3A_449 = vector.broadcast %broadcast_in_dim3A_448 : i32 to vector<16xi32>
      %gather3A_450 = tpu.vector_load_idx %arg11[%add3A_302, %broadcast_in_dim3A_449] : memref<512x32xf32, #tpu.memory_space<vmem>>[vector<16xi32>, vector<16xi32>], vector<16xf32>,
      %gather3A_451 = tpu.vector_load_idx %arg12[%add3A_302, %broadcast_in_dim3A_449] : memref<512x32xf32, #tpu.memory_space<vmem>>[vector<16xi32>, vector<16xi32>], vector<16xf32>,
      %mul3A_452 = arith.mulf %gather3A_450, %gather3A_451 : vector<16xf32>
      %add3A_453 = arith.addf %add3A_447, %mul3A_452 : vector<16xf32>
      %broadcast_in_dim3A_454 = arith.constant 24 : i32
      %broadcast_in_dim3A_455 = vector.broadcast %broadcast_in_dim3A_454 : i32 to vector<16xi32>
      %gather3A_456 = tpu.vector_load_idx %arg11[%add3A_302, %broadcast_in_dim3A_455] : memref<512x32xf32, #tpu.memory_space<vmem>>[vector<16xi32>, vector<16xi32>], vector<16xf32>,
      %gather3A_457 = tpu.vector_load_idx %arg12[%add3A_302, %broadcast_in_dim3A_455] : memref<512x32xf32, #tpu.memory_space<vmem>>[vector<16xi32>, vector<16xi32>], vector<16xf32>,
      %mul3A_458 = arith.mulf %gather3A_456, %gather3A_457 : vector<16xf32>
      %add3A_459 = arith.addf %add3A_453, %mul3A_458 : vector<16xf32>
      %broadcast_in_dim3A_460 = arith.constant 25 : i32
      %broadcast_in_dim3A_461 = vector.broadcast %broadcast_in_dim3A_460 : i32 to vector<16xi32>
      %gather3A_462 = tpu.vector_load_idx %arg11[%add3A_302, %broadcast_in_dim3A_461] : memref<512x32xf32, #tpu.memory_space<vmem>>[vector<16xi32>, vector<16xi32>], vector<16xf32>,
      %gather3A_463 = tpu.vector_load_idx %arg12[%add3A_302, %broadcast_in_dim3A_461] : memref<512x32xf32, #tpu.memory_space<vmem>>[vector<16xi32>, vector<16xi32>], vector<16xf32>,
      %mul3A_464 = arith.mulf %gather3A_462, %gather3A_463 : vector<16xf32>
      %add3A_465 = arith.addf %add3A_459, %mul3A_464 : vector<16xf32>
      %broadcast_in_dim3A_466 = arith.constant 26 : i32
      %broadcast_in_dim3A_467 = vector.broadcast %broadcast_in_dim3A_466 : i32 to vector<16xi32>
      %gather3A_468 = tpu.vector_load_idx %arg11[%add3A_302, %broadcast_in_dim3A_467] : memref<512x32xf32, #tpu.memory_space<vmem>>[vector<16xi32>, vector<16xi32>], vector<16xf32>,
      %gather3A_469 = tpu.vector_load_idx %arg12[%add3A_302, %broadcast_in_dim3A_467] : memref<512x32xf32, #tpu.memory_space<vmem>>[vector<16xi32>, vector<16xi32>], vector<16xf32>,
      %mul3A_470 = arith.mulf %gather3A_468, %gather3A_469 : vector<16xf32>
      %add3A_471 = arith.addf %add3A_465, %mul3A_470 : vector<16xf32>
      %broadcast_in_dim3A_472 = arith.constant 27 : i32
      %broadcast_in_dim3A_473 = vector.broadcast %broadcast_in_dim3A_472 : i32 to vector<16xi32>
      %gather3A_474 = tpu.vector_load_idx %arg11[%add3A_302, %broadcast_in_dim3A_473] : memref<512x32xf32, #tpu.memory_space<vmem>>[vector<16xi32>, vector<16xi32>], vector<16xf32>,
      %gather3A_475 = tpu.vector_load_idx %arg12[%add3A_302, %broadcast_in_dim3A_473] : memref<512x32xf32, #tpu.memory_space<vmem>>[vector<16xi32>, vector<16xi32>], vector<16xf32>,
      %mul3A_476 = arith.mulf %gather3A_474, %gather3A_475 : vector<16xf32>
      %add3A_477 = arith.addf %add3A_471, %mul3A_476 : vector<16xf32>
      %broadcast_in_dim3A_478 = arith.constant 28 : i32
      %broadcast_in_dim3A_479 = vector.broadcast %broadcast_in_dim3A_478 : i32 to vector<16xi32>
      %gather3A_480 = tpu.vector_load_idx %arg11[%add3A_302, %broadcast_in_dim3A_479] : memref<512x32xf32, #tpu.memory_space<vmem>>[vector<16xi32>, vector<16xi32>], vector<16xf32>,
      %gather3A_481 = tpu.vector_load_idx %arg12[%add3A_302, %broadcast_in_dim3A_479] : memref<512x32xf32, #tpu.memory_space<vmem>>[vector<16xi32>, vector<16xi32>], vector<16xf32>,
      %mul3A_482 = arith.mulf %gather3A_480, %gather3A_481 : vector<16xf32>
      %add3A_483 = arith.addf %add3A_477, %mul3A_482 : vector<16xf32>
      %broadcast_in_dim3A_484 = arith.constant 29 : i32
      %broadcast_in_dim3A_485 = vector.broadcast %broadcast_in_dim3A_484 : i32 to vector<16xi32>
      %gather3A_486 = tpu.vector_load_idx %arg11[%add3A_302, %broadcast_in_dim3A_485] : memref<512x32xf32, #tpu.memory_space<vmem>>[vector<16xi32>, vector<16xi32>], vector<16xf32>,
      %gather3A_487 = tpu.vector_load_idx %arg12[%add3A_302, %broadcast_in_dim3A_485] : memref<512x32xf32, #tpu.memory_space<vmem>>[vector<16xi32>, vector<16xi32>], vector<16xf32>,
      %mul3A_488 = arith.mulf %gather3A_486, %gather3A_487 : vector<16xf32>
      %add3A_489 = arith.addf %add3A_483, %mul3A_488 : vector<16xf32>
      %broadcast_in_dim3A_490 = arith.constant 30 : i32
      %broadcast_in_dim3A_491 = vector.broadcast %broadcast_in_dim3A_490 : i32 to vector<16xi32>
      %gather3A_492 = tpu.vector_load_idx %arg11[%add3A_302, %broadcast_in_dim3A_491] : memref<512x32xf32, #tpu.memory_space<vmem>>[vector<16xi32>, vector<16xi32>], vector<16xf32>,
      %gather3A_493 = tpu.vector_load_idx %arg12[%add3A_302, %broadcast_in_dim3A_491] : memref<512x32xf32, #tpu.memory_space<vmem>>[vector<16xi32>, vector<16xi32>], vector<16xf32>,
      %mul3A_494 = arith.mulf %gather3A_492, %gather3A_493 : vector<16xf32>
      %add3A_495 = arith.addf %add3A_489, %mul3A_494 : vector<16xf32>
      %broadcast_in_dim3A_496 = arith.constant 31 : i32
      %broadcast_in_dim3A_497 = vector.broadcast %broadcast_in_dim3A_496 : i32 to vector<16xi32>
      %gather3A_498 = tpu.vector_load_idx %arg11[%add3A_302, %broadcast_in_dim3A_497] : memref<512x32xf32, #tpu.memory_space<vmem>>[vector<16xi32>, vector<16xi32>], vector<16xf32>,
      %gather3A_499 = tpu.vector_load_idx %arg12[%add3A_302, %broadcast_in_dim3A_497] : memref<512x32xf32, #tpu.memory_space<vmem>>[vector<16xi32>, vector<16xi32>], vector<16xf32>,
      %mul3A_500 = arith.mulf %gather3A_498, %gather3A_499 : vector<16xf32>
      %add3A_501 = arith.addf %add3A_495, %mul3A_500 : vector<16xf32>
      %swap3A = arith.index_cast %mul3A_304 : i32 to index
      %swap3A_502 = tpu.vector_load %arg15[%swap3A] {strides = array<i32>} : memref<512xf32, #tpu.memory_space<vmem>>, vector<16xf32>,
      tpu.vector_store %arg15[%swap3A], %add3A_501 {strides = array<i32>} : memref<512xf32, #tpu.memory_space<vmem>>, vector<16xf32>,
    }
    %scan3A_297 = arith.constant 32 : i32
    "tpu.region"() ({
      %run_scoped3A = tpu.sem_alloc : memref<!tpu.dma_semaphore, #tpu.memory_space<semaphore_mem>>
      %dma_start3A_298 = tpu.memref_slice %arg8[%mul3A_2] : memref<16384xf32, #tpu.memory_space<hbm>> -> memref<512xf32, #tpu.memory_space<hbm>>
      %dma_start3A_299 = tpu.memref_slice %arg8[%mul3A_2] : memref<16384xf32, #tpu.memory_space<hbm>> -> memref<512xf32, #tpu.memory_space<hbm>>
      tpu.enqueue_dma source(%arg15 : memref<512xf32, #tpu.memory_space<vmem>>) target(%dma_start3A_299 : memref<512xf32, #tpu.memory_space<hbm>>) target_semaphore(%run_scoped3A : memref<!tpu.dma_semaphore, #tpu.memory_space<semaphore_mem>>)
      %dma_wait3A_300 = tpu.memref_slice %arg8[%mul3A_2] : memref<16384xf32, #tpu.memory_space<hbm>> -> memref<512xf32, #tpu.memory_space<hbm>>
      %dma_wait3A_301 = tpu.memref_slice %arg8[%mul3A_2] : memref<16384xf32, #tpu.memory_space<hbm>> -> memref<512xf32, #tpu.memory_space<hbm>>
      tpu.wait_dma2 semaphore(%run_scoped3A : memref<!tpu.dma_semaphore, #tpu.memory_space<semaphore_mem>>) src(%arg15 : memref<512xf32, #tpu.memory_space<vmem>>) dst(%dma_wait3A_301 : memref<512xf32, #tpu.memory_space<hbm>>)
      tpu.yield
    }) : () -> ()
    return
  }
}

</mosaic_0001>

<sc_bundles>
// kernel: kernel.3.cloned.1.call-start
scs
__scs_entry_jumppad:
0x0: {  	(pc) =	sbr.rel $0x88, $3  }
0x1: {  	(tag) =	ssettag $0x0;
	lr =	simm.s32 $0x1  }
0x2: {  	[smem:$0x3F9B] =	sst lr;
	_ =	strace $0xD0000000  }
0x3: {  	_ = 	snop  }
0x4: {  	_ = 	snop  }
0x5: {  	_ = 	snop  }
0x6: {  	_ = 	snop  }
0x7: {  	_ = 	snop  }
__scs_overlays_trampoline_lowered:
0x8: {  	[smem:$0x3FAA] =	sst s0  }
0x9: {  	[smem:$0x3FAB] =	sst s1  }
0xa: {  	[smem:$0x3FAC] =	sst s2  }
0xb: {  	[smem:$0x3FAD] =	sst s3  }
0xc: {  	[smem:$0x3FAE] =	sst s4  }
0xd: {  	[smem:$0x3FAF] =	sst s5  }
0xe: {  	[smem:$0x3FB0] =	sst s6  }
0xf: {  	[smem:$0x3FB1] =	sst s7  }
0x10: {  	[smem:$0x3FB2] =	sst s8  }
0x11: {  	[smem:$0x3FB3] =	sst s9;
	s0 =	simm.s32 @!p0 $0x0  }
0x12: {  	s1 =	sld [smem:$0x3F99];
	s0 =	simm.s32 @p0 $0x1  }
0x13: {  	[smem:$0x3FB4] =	sst s0;
	s0 =	simm.s32 @!p1 $0x0  }
0x14: {  	s2 =	sld [smem:$0x3F98];
	s0 =	simm.s32 @p1 $0x1  }
0x15: {  	[smem:$0x3FB5] =	sst s0;
	s0 =	simm.s32 @!p2 $0x0  }
0x16: {  	s3 =	sld [smem:$0x3FDB];
	s0 =	simm.s32 @p2 $0x1  }
0x17: {  	s4 =	simm.s32 $0x1BF5;
	[smem:$0x3FB7] =	sst s0  }
0x18: {  	s0 =	sld [smem:$0x3F9A];
	_ =	swait.ge [sflag:s4], $0x0  }
0x19: {  	s7 =	sld [smem:$0x3F9B]  }
0x1a: {  	s8 =	sadd.s32 $0xFFFFE003, lr  }
0x1b: {  	s9 =	sadd.s32 $0xFFFFFEF7, lr;
	s5 =	simm.s32 $0xFFFFFFFF;
	p2 =	slt.u32 s8, $0xFFFFF086  }
0x1c: {  	p1 =	slt.u32 s9, $0xF7A;
	s5 =	simm.s32 @!p2 $0x0  }
0x1d: {  	s5 =	simm.s32 @p1 $0x1;
	p0 =	seq.s32 s7, s2  }
0x1e: {  	s7 =	smul.u32 @!p0 $0xF7A, s2;
	p2 =	seq.s32 @!p0 s5, $0x0  }
0x1f: {  	s9 =	smul.u32 $0xF7A, s1;
	s8 =	simm.s32 @!p0 $0x1BF5;
	p2 =	por !p2, p0  }
0x20: {  	[sflag:s8] =	ssyncset.s32 @!p0 $0xFFFFF086;
	s6 =	sadd.s32 @!p0 s3, s7;
	s7 =	simm.s32 @!p0 $0x108  }
0x21: {  	s3 =	sadd.s32 s3, s9;
	s6 =	sadd.s32 @!p0 $0x88, s6;
	s7 =	simm.s32 @p2 $0x1082  }
0x22: {  	[simem:s7], [sflag:s8] =	dma.local @!p0 [hbm:s6], $0xF7A  }
0x23: {  	s9 =	sor.u32 $0xD0000000, s2;
	s6 =	simm.s32 $0x108;
	_ =	swait.ge @!p0 [sflag:s8], $0x0  }
0x24: {  	s3 =	sadd.s32 $0x88, s3;
	s6 =	simm.s32 @!p1 $0x1082;
	[sflag:s4] =	ssyncset.s32 $0xFFFFF086  }
0x25: {  	[simem:s6], [sflag:s4] =	dma.local [hbm:s3], $0xF7A  }
0x26: {  	[smem:$0x3F9B] =	sst s1;
	(tag) =	ssettag s2;
	_ =	strace s9  }
0x27: {  	s1 =	sld [smem:$0x3FAB]  }
0x28: {  	s2 =	sld [smem:$0x3FAC]  }
0x29: {  	s4 =	sld [smem:$0x3FAE]  }
0x2a: {  	p0 =	seq.s32 s5, $0x0;
	s5 =	sld [smem:$0x3FAF]  }
0x2b: {  	s6 =	sld [smem:$0x3FB0]  }
0x2c: {  	s7 =	sld [smem:$0x3FB1]  }
0x2d: {  	s3 =	simm.s32 $0x108;
	s8 =	sld [smem:$0x3FB2]  }
0x2e: {  	s3 =	simm.s32 @!p0 $0x1082;
	s9 =	sld [smem:$0x3FB3]  }
0x2f: {  	lr =	sadd.s32 s0, s3;
	s0 =	sld [smem:$0x3FAA]  }
0x30: {  	s3 =	sld [smem:$0x3FAD]  }
0x31: {  	[smem:$0x3FB6] =	sst s10  }
0x32: {  	s10 =	sld [smem:$0x3FB4];
	_ =	sdelay $0x3  }
0x33: {  	p0 =	seq.s32 s10, $0x1;
	s10 =	sld [smem:$0x3FB6];
	_ =	sdelay $0x3  }
0x34: {  	[smem:$0x3FB6] =	sst s10  }
0x35: {  	s10 =	sld [smem:$0x3FB5];
	_ =	sdelay $0x3  }
0x36: {  	p1 =	seq.s32 s10, $0x1;
	s10 =	sld [smem:$0x3FB6];
	_ =	sdelay $0x3  }
0x37: {  	[smem:$0x3FB6] =	sst s10  }
0x38: {  	s10 =	sld [smem:$0x3FB7]  }
0x39: {  	_ = 	snop;
	(pc) =	sbr.ind lr, $3  }
0x3a: {  	_ = 	snop  }
0x3b: {  	_ = 	snop  }
0x3c: {  	p2 =	seq.s32 s10, $0x1;
	s10 =	sld [smem:$0x3FB6]  }
0x3d: {  	_ =	shalt  }
0x3e: {  	_ =	shalt  }
0x3f: {  	_ =	shalt  }
0x40: {  	_ =	shalt  }
0x41: {  	_ =	shalt  }
0x42: {  	_ =	shalt  }
0x43: {  	_ =	shalt  }
0x44: {  	_ =	shalt  }
0x45: {  	_ =	shalt  }
0x46: {  	_ =	shalt  }
0x47: {  	_ =	shalt  }
0x48: {  	_ =	shalt  }
0x49: {  	_ =	shalt  }
0x4a: {  	_ =	shalt  }
0x4b: {  	_ =	shalt  }
0x4c: {  	_ =	shalt  }
0x4d: {  	_ =	shalt  }
0x4e: {  	_ =	shalt  }
0x4f: {  	_ =	shalt  }
0x50: {  	_ =	shalt  }
0x51: {  	_ =	shalt  }
0x52: {  	_ =	shalt  }
0x53: {  	_ =	shalt  }
0x54: {  	_ =	shalt  }
0x55: {  	_ =	shalt  }
0x56: {  	_ =	shalt  }
0x57: {  	_ =	shalt  }
0x58: {  	_ =	shalt  }
0x59: {  	_ =	shalt  }
0x5a: {  	_ =	shalt  }
0x5b: {  	_ =	shalt  }
0x5c: {  	_ =	shalt  }
0x5d: {  	_ =	shalt  }
0x5e: {  	_ =	shalt  }
0x5f: {  	_ =	shalt  }
0x60: {  	_ =	shalt  }
0x61: {  	_ =	shalt  }
0x62: {  	_ =	shalt  }
0x63: {  	_ =	shalt  }
0x64: {  	_ =	shalt  }
0x65: {  	_ =	shalt  }
0x66: {  	_ =	shalt  }
0x67: {  	_ =	shalt  }
0x68: {  	_ =	shalt  }
0x69: {  	_ =	shalt  }
0x6a: {  	_ =	shalt  }
0x6b: {  	_ =	shalt  }
0x6c: {  	_ =	shalt  }
0x6d: {  	_ =	shalt  }
0x6e: {  	_ =	shalt  }
0x6f: {  	_ =	shalt  }
0x70: {  	_ =	shalt  }
0x71: {  	_ =	shalt  }
0x72: {  	_ =	shalt  }
0x73: {  	_ =	shalt  }
0x74: {  	_ =	shalt  }
0x75: {  	_ =	shalt  }
0x76: {  	_ =	shalt  }
0x77: {  	_ =	shalt  }
0x78: {  	_ =	shalt  }
0x79: {  	_ =	shalt  }
0x7a: {  	_ =	shalt  }
0x7b: {  	_ =	shalt  }
0x7c: {  	_ =	shalt  }
0x7d: {  	_ =	shalt  }
0x7e: {  	_ =	shalt  }
0x7f: {  	_ =	shalt  }
0x80: {  	_ =	shalt  }
0x81: {  	_ =	shalt  }
0x82: {  	_ =	shalt  }
0x83: {  	_ =	shalt  }
0x84: {  	_ =	shalt  }
0x85: {  	_ =	shalt  }
0x86: {  	_ =	shalt  }
0x87: {  	_ =	shalt  }
.Lfunc_end0:
.L_simem_size_0:
called_computation_lowered:
.L_overlay_start_0:
0x88: {  	s2 =	sld [smem:$0x3FD9]  }
0x89: {  	s3 =	sld [smem:$0x3FFE];
	_ =	sdelay $0x1  }
0x8a: {  	s1 =	srdreg.scid  }
0x8b: {  	s0 =	sand.u32 $0x1, s1  }
0x8c: {  	s17 =	sshll.u32 s0, $0xA;
	s2 =	sadd.s32 s3, s2  }
0x8d: {  	s2 =	sadd.s32 s2, s17  }
0x8e: {  	[smem:$0x3FC2] =	sst s2  }
0x8f: {  	_ = 	snop  }
0x90: {  	s2 =	sld [smem:$0x3FC9]  }
0x91: {  	s18 =	sld [smem:$0x3FC8]  }
0x92: {  	s4 =	sld [smem:$0x3FD0];
	(tm) =	ssettm $0x1  }
0x93: {  	s5 =	sld [smem:$0x3FFB];
	_ =	sdelay $0x3  }
0x94: {  	_ =	strace s5  }
0x95: {  	s5 =	sld [smem:$0x3FFC];
	_ =	sdelay $0x3  }
0x96: {  	_ =	strace s5  }
0x97: {  	s5 =	sld [smem:$0x3FFD];
	_ =	sdelay $0x3  }
0x98: {  	_ =	strace s5  }
0x99: {  	_ =	strace $0x8FFFFFFF  }
0x9a: {  	s19 =	sld [smem:$0x3FDB];
	_ =	sdelay $0x1  }
0x9b: {  	s6 =	simm.s32 $_scs_section_size  }
0x9c: {  	s7 =	simm.s32 $_size__tile_overlayer_lowered;
	s8 =	simm.s32 $_tile_overlayer_lowered  }
0x9d: {  	s22 =	simm.s32 $0x1BFF;
	s21 =	sshll.u32 s8, $0x1;
	s5 =	sadd.s32 s6, s19  }
0x9e: {  	s9 =	simm.s32 $0x0;
	s20 =	sshll.u32 s7, $0x1;
	s7 =	sadd.s32 s21, s5  }
0x9f: {  	[timem:s9], [sflag:s22] =	dma.local [hbm:s7], s20  }
0xa0: {  	_ =	swait.ge [sflag:s22], s20  }
0xa1: {  	s6 =	ssub.s32 $0x0, s20;
	[sflag:s22] =	ssyncset.done $0x0  }
0xa2: {  	[sflag:s22] =	ssyncadd.s32 s6;
	_ =	sdelay $0x1  }
0xa3: {  	s23 =	simm.s32 $0x1B8B  }
0xa4: {  	_ =	swait.ge [sflag:s23], $0x1  }
0xa5: {  	[sflag:s23] =	ssyncset.done $0x0  }
0xa6: {  	s25 =	simm.s32 $0x1B8E;
	s24 =	sld [smem:$0x3FFE];
	[sflag:s23] =	ssyncadd.s32 $0xFFFFFFFF  }
0xa7: {  	s26 =	simm.s32 $execute0_lowered;
	[smem:$0x3FD2] =	sst s25  }
0xa8: {  	s7 =	sshll.u32 s26, $0x1;
	_ =	strace $0x80000046;
	[dreg:$0x1] =	wrdreg $0xFFFFFFFF  }
0xa9: {  	s28 =	simm.s32 $_size_execute0_lowered;
	s5 =	sadd.s32 s5, s7;
	[dreg:$0x0] =	wrdreg $0x0  }
0xaa: {  	s7 =	sshll.u32 s28, $0x1;
	[dreg:$0x2] =	wrdreg s5  }
0xab: {  	[dreg:$0x3] =	wrdreg s7  }
0xac: {  	[dreg:$0x4] =	wrdreg $0xC0  }
0xad: {  	_ =	task [dreg:s9], $0x5FFFF  }
0xae: {  	[dreg:$0x1] =	wrdreg $0xFFFFFFFF  }
0xaf: {  	[dreg:$0x0] =	wrdreg $0x60  }
0xb0: {  	[dreg:$0x2] =	wrdreg s2  }
0xb1: {  	[dreg:$0x3] =	wrdreg s18  }
0xb2: {  	[dreg:$0x4] =	wrdreg s24  }
0xb3: {  	[dreg:$0x5] =	wrdreg s4  }
0xb4: {  	[dreg:$0x6] =	wrdreg $0x9  }
0xb5: {  	_ =	task.clear_ibuf [dreg:s9], $0x7FFFF;
	_ =	strace $0x90000046  }
0xb6: {  	s29 =	simm.s32 $0x9;
	_ =	strace $0x80000048  }
0xb7: {  	_ =	swait.ge [sflag:s29], $0x1  }
0xb8: {  	[sflag:s29] =	ssyncadd.s32 $0xFFFFFFFF  }
0xb9: {  	_ =	strace $0x90000048  }
0xba: {  	_ =	sfence  }
0xbb: {  	s30 =	sld [smem:$0x0];
	_ =	sdelay $0x2  }
0xbc: {  	s31 =	sshll.u32 s1, $0xD;
	s1 =	sshrl.u32 s1, $0x2  }
0xbd: {  	s3 =	sand.u32 $0x4000, s31;
	s1 =	sadd.s32 s1, s30  }
0xbe: {  	s0 =	sor.u32 s3, s0;
	s1 =	sshll.u32 s1, $0x11  }
0xbf: {  	s0 =	sor.u32 s1, s0  }
0xc0: {  	s0 =	sadd.s32 $0x8F2B, s0  }
0xc1: {  	[sflag:s0] =	ssyncadd.remote.s32 $0x1  }
0xc2: {  	_ =	sfence.sel $0xFFFF  }
0xc3: {  	[dreg:$0x0] =	wrdreg $0xFFFFFFFF;
	(pc) =	sbr.abs _section_cstart, $3  }
0xc4: {  	[dreg:$0x1] =	wrdreg $0xFFFFFFFF  }
0xc5: {  	_ =	task.clear_ibuf [dreg:s9], $0x2FFFF;
	_ =	strace $0x9FFFFFFF  }
0xc6: {  	(tm) =	ssettm $0x7FFFFFFF  }
0xc7: {  	_ =	shalt  }
tec
execute0_lowered:
.L_overlay_start_1:
0x0: {  	(tag) =	ssettag $0x1  }
0x1: {  	s0 =	rddreg [dreg:$0x0]  }
0x2: {  	s3 =	rddreg [dreg:$0x1]  }
0x3: {  	s1 =	rddreg [dreg:$0x2]  }
0x4: {  	s9 =	rddreg [dreg:$0x3];
	s2 =	simm.s32 $0x0  }
0x5: {  	s6 =	srdreg.scid;
	s8 =	stileid.u32;
	s12 =	simm.s32 $0x200  }
0x6: {  	s13 =	simm.s32 $0x80;
	s14 =	simm.s32 $0x400;
	s15 =	simm.s32 $0x4400  }
0x7: {  	s17 =	simm.s32 $0x280;
	s21 =	simm.s32 $0x100;
	s23 =	simm.s32 $0x300  }
0x8: {  	s26 =	simm.s32 $0x8700;
	s28 =	simm.s32 $0x180;
	s29 =	simm.s32 $0x3400  }
0x9: {  	s30 =	simm.s32 $0x380;
	s31 =	simm.s32 $0x7400;
	s16 =	simm.s32 $0x1  }
0xa: {  	s18 =	simm.s32 $0x8800;
	s19 =	simm.s32 $0x0;
	[smem:$0x7FF] =	sst s2  }
0xb: {  	s4 =	sadd.s32 $0x1312E00, s1;
	s5 =	sadd.s32 $0xF42400, s1;
	s6 =	sand.u32 $0x1, s6  }
0xc: {  	s8 =	sshll.u32 s8, $0x7;
	s7 =	ssub.s32 $0x2, s6;
	s10 =	sshll.u32 s6, $0x6  }
0xd: {  	_ =	strace $0x80000047;
	s11 =	sshrl.u32 s7, $0x1;
	s10 =	sor.u32 s10, s8  }
0xe: {  	s6 =	sadd.s32 $0x1EA00, s1;
	s11 =	ssub.s32 s7, s11;
	s7 =	sadd.s32 s0, s10  }
0xf: {  	v0 =	vlaneseq.u32;
	s8 =	sadd.s32 s3, s10;
	s9 =	sadd.s32 s9, s10;
	s0 =	simm.s32 $0x8580  }
0x10: {  	v0 =	vmul.u32 $0x20, v0;
	s3 =	simm.s32 $0x8780;
	s10 =	smax.u32 s11, $0x1;
	s11 =	simm.s32 $0x2  }
.LBB2_1:
0x11: {  	[tilespmem:s2], [sflag:$0x2] =	stream.linear.gather [hbm4b:s7+s2], $0x200, $0x38;
	[tilespmem:$0x8A00] =	vst v63  }
0x12: {  	_ =	swait.ge [sflag:s11], $0x200  }
0x13: {  	[sflag:s11] =	ssyncset.done $0x0  }
0x14: {  	[sflag:s11] =	ssyncadd.s32 $0xFFFFFE00  }
0x15: {  	[tilespmem:s12], [sflag:$0x2] =	stream.linear.gather [hbm4b:s8+s2], $0x200, $0x38;
	[tilespmem:$0x8A00] =	vst v63  }
0x16: {  	_ =	swait.ge [sflag:s11], $0x200  }
0x17: {  	[sflag:s11] =	ssyncset.done $0x0  }
0x18: {  	[sflag:s11] =	ssyncadd.s32 $0xFFFFFE00  }
0x19: {  	[tilespmem:s14], [sflag:$0x1] =	stream.indirect.gather [hbm4b:s4+s13], $0x20, s2, s13, $0xb8;
	[tilespmem:$0x8A00] =	vst v63  }
0x1a: {  	_ = 	snop  }
0x1b: {  	[tilespmem:s15], [sflag:$0x1] =	stream.indirect.gather [hbm4b:s5+s13], $0x20, s12, s13, $0xb8;
	[tilespmem:$0x8A00] =	vst v63  }
0x1c: {  	s20 =	simm.s32 $0x8400  }
0x1d: {  	[tilespmem:s20], [sflag:$0x1] =	stream.indirect.gather [hbm4b:s6+s13], $0x1, s2, s13, $0xb8;
	[tilespmem:$0x8A00] =	vst v63  }
0x1e: {  	s22 =	simm.s32 $0x8600  }
0x1f: {  	[tilespmem:s22], [sflag:$0x1] =	stream.indirect.gather [hbm4b:s1+s13], $0x1, s12, s13, $0xb8;
	[tilespmem:$0x8A00] =	vst v63  }
0x20: {  	s24 =	simm.s32 $0x1400  }
0x21: {  	[tilespmem:s24], [sflag:$0x1] =	stream.indirect.gather [hbm4b:s4+s13], $0x20, s13, s13, $0xb8;
	[tilespmem:$0x8A00] =	vst v63  }
0x22: {  	s25 =	simm.s32 $0x5400  }
0x23: {  	[tilespmem:s25], [sflag:$0x1] =	stream.indirect.gather [hbm4b:s5+s13], $0x20, s17, s13, $0xb8;
	[tilespmem:$0x8A00] =	vst v63  }
0x24: {  	s25 =	simm.s32 $0x8480  }
0x25: {  	[tilespmem:s25], [sflag:$0x1] =	stream.indirect.gather [hbm4b:s6+s13], $0x1, s13, s13, $0xb8;
	[tilespmem:$0x8A00] =	vst v63  }
0x26: {  	s25 =	simm.s32 $0x8680  }
0x27: {  	[tilespmem:s25], [sflag:$0x1] =	stream.indirect.gather [hbm4b:s1+s13], $0x1, s17, s13, $0xb8;
	[tilespmem:$0x8A00] =	vst v63  }
0x28: {  	s25 =	simm.s32 $0x2400  }
0x29: {  	[tilespmem:s25], [sflag:$0x1] =	stream.indirect.gather [hbm4b:s4+s13], $0x20, s21, s13, $0xb8;
	[tilespmem:$0x8A00] =	vst v63  }
0x2a: {  	s25 =	simm.s32 $0x6400  }
0x2b: {  	[tilespmem:s25], [sflag:$0x1] =	stream.indirect.gather [hbm4b:s5+s13], $0x20, s23, s13, $0xb8;
	[tilespmem:$0x8A00] =	vst v63  }
0x2c: {  	s25 =	simm.s32 $0x8500  }
0x2d: {  	[tilespmem:s25], [sflag:$0x1] =	stream.indirect.gather [hbm4b:s6+s13], $0x1, s21, s13, $0xb8;
	[tilespmem:$0x8A00] =	vst v63  }
0x2e: {  	_ = 	snop  }
0x2f: {  	[tilespmem:s26], [sflag:$0x1] =	stream.indirect.gather [hbm4b:s1+s13], $0x1, s23, s13, $0xb8;
	[tilespmem:$0x8A00] =	vst v63  }
0x30: {  	_ = 	snop  }
0x31: {  	[tilespmem:s29], [sflag:$0x1] =	stream.indirect.gather [hbm4b:s4+s13], $0x20, s28, s13, $0xb8;
	[tilespmem:$0x8A00] =	vst v63  }
0x32: {  	_ = 	snop  }
0x33: {  	[tilespmem:s31], [sflag:$0x1] =	stream.indirect.gather [hbm4b:s5+s13], $0x20, s30, s13, $0xb8;
	[tilespmem:$0x8A00] =	vst v63  }
0x34: {  	_ = 	snop  }
0x35: {  	[tilespmem:s0], [sflag:$0x1] =	stream.indirect.gather [hbm4b:s6+s13], $0x1, s28, s13, $0xb8;
	[tilespmem:$0x8A00] =	vst v63  }
0x36: {  	_ = 	snop  }
0x37: {  	[tilespmem:s3], [sflag:$0x1] =	stream.indirect.gather [hbm4b:s1+s13], $0x1, s30, s13, $0xb8;
	[tilespmem:$0x8A00] =	vst v63  }
0x38: {  	_ =	swait.ge [sflag:s16], $0x1000  }
0x39: {  	[sflag:s16] =	ssyncset.done $0x0  }
0x3a: {  	[sflag:s16] =	ssyncadd.s32 $0xFFFFF000  }
0x3b: {  	_ =	swait.ge [sflag:s16], $0x1000  }
0x3c: {  	[sflag:s16] =	ssyncset.done $0x0  }
0x3d: {  	[sflag:s16] =	ssyncadd.s32 $0xFFFFF000  }
0x3e: {  	_ =	swait.ge [sflag:s16], $0x80  }
0x3f: {  	[sflag:s16] =	ssyncset.done $0x0  }
0x40: {  	[sflag:s16] =	ssyncadd.s32 $0xFFFFFF80  }
0x41: {  	_ =	swait.ge [sflag:s16], $0x80  }
0x42: {  	[sflag:s16] =	ssyncset.done $0x0  }
0x43: {  	[sflag:s16] =	ssyncadd.s32 $0xFFFFFF80  }
0x44: {  	_ =	swait.ge [sflag:s16], $0x1000  }
0x45: {  	[sflag:s16] =	ssyncset.done $0x0  }
0x46: {  	[sflag:s16] =	ssyncadd.s32 $0xFFFFF000  }
0x47: {  	_ =	swait.ge [sflag:s16], $0x1000  }
0x48: {  	[sflag:s16] =	ssyncset.done $0x0  }
0x49: {  	[sflag:s16] =	ssyncadd.s32 $0xFFFFF000  }
0x4a: {  	_ =	swait.ge [sflag:s16], $0x80  }
0x4b: {  	[sflag:s16] =	ssyncset.done $0x0  }
0x4c: {  	[sflag:s16] =	ssyncadd.s32 $0xFFFFFF80  }
0x4d: {  	_ =	swait.ge [sflag:s16], $0x80  }
0x4e: {  	[sflag:s16] =	ssyncset.done $0x0  }
0x4f: {  	[sflag:s16] =	ssyncadd.s32 $0xFFFFFF80  }
0x50: {  	_ =	swait.ge [sflag:s16], $0x1000  }
0x51: {  	[sflag:s16] =	ssyncset.done $0x0  }
0x52: {  	[sflag:s16] =	ssyncadd.s32 $0xFFFFF000  }
0x53: {  	_ =	swait.ge [sflag:s16], $0x1000  }
0x54: {  	[sflag:s16] =	ssyncset.done $0x0  }
0x55: {  	[sflag:s16] =	ssyncadd.s32 $0xFFFFF000  }
0x56: {  	_ =	swait.ge [sflag:s16], $0x80  }
0x57: {  	[sflag:s16] =	ssyncset.done $0x0  }
0x58: {  	[sflag:s16] =	ssyncadd.s32 $0xFFFFFF80  }
0x59: {  	_ =	swait.ge [sflag:s16], $0x80  }
0x5a: {  	[sflag:s16] =	ssyncset.done $0x0  }
0x5b: {  	[sflag:s16] =	ssyncadd.s32 $0xFFFFFF80  }
0x5c: {  	_ =	swait.ge [sflag:s16], $0x1000  }
0x5d: {  	[sflag:s16] =	ssyncset.done $0x0  }
0x5e: {  	[sflag:s16] =	ssyncadd.s32 $0xFFFFF000  }
0x5f: {  	_ =	swait.ge [sflag:s16], $0x1000  }
0x60: {  	[sflag:s16] =	ssyncset.done $0x0  }
0x61: {  	[sflag:s16] =	ssyncadd.s32 $0xFFFFF000  }
0x62: {  	_ =	swait.ge [sflag:s16], $0x80  }
0x63: {  	v1 =	vmov s2;
	[sflag:s16] =	ssyncset.done $0x0  }
0x64: {  	v1 =	vshll.u32 v1, $0x5;
	[sflag:s16] =	ssyncadd.s32 $0xFFFFFF80  }
0x65: {  	v1 =	vor.u32 v0, v1;
	_ =	swait.ge [sflag:s16], $0x80  }
0x66: {  	[sflag:s16] =	ssyncset.done $0x0  }
0x67: {  	v2 =	vor.u32 $0x1, v1;
	[sflag:s16] =	ssyncadd.s32 $0xFFFFFF80  }
0x68: {  	v3 =	vld [tilespmem:s22+$0x0]  }
0x69: {  	v4 =	vor.u32 $0x2, v1;
	v5 =	vld [tilespmem:s20+$0x0]  }
0x6a: {  	v6 =	vld.idx.msk [tilespmem:v1+s14+$0x0], $0xffff  }
0x6b: {  	v8 =	vor.u32 $0x3, v1;
	v7 =	vld.idx.msk [tilespmem:v1+s15+$0x0], $0xffff  }
0x6c: {  	v9 =	vld.idx.msk [tilespmem:v2+s14+$0x0], $0xffff  }
0x6d: {  	v10 =	vor.u32 $0x4, v1;
	v2 =	vld.idx.msk [tilespmem:v2+s15+$0x0], $0xffff  }
0x6e: {  	v11 =	vld.idx.msk [tilespmem:v4+s14+$0x0], $0xffff;
	v3 =	vadd.f32 v3, v5  }
0x6f: {  	v4 =	vld.idx.msk [tilespmem:v4+s15+$0x0], $0xffff;
	v5 =	vor.u32 $0x5, v1  }
0x70: {  	v12 =	vld.idx.msk [tilespmem:v8+s14+$0x0], $0xffff;
	v6 =	vmul.f32 v7, v6;
	v3 =	vadd.f32 $3.500000000e+00, v3  }
0x71: {  	v28 =	vor.u32 $0x6, v1;
	v27 =	vld.idx.msk [tilespmem:v8+s15+$0x0], $0xffff  }
0x72: {  	v13 =	vld.idx.msk [tilespmem:v10+s14+$0x0], $0xffff;
	v2 =	vmul.f32 v2, v9;
	v3 =	vadd.f32 v6, v3  }
0x73: {  	v30 =	vor.u32 $0x7, v1;
	v29 =	vld.idx.msk [tilespmem:v10+s15+$0x0], $0xffff  }
0x74: {  	v31 =	vld.idx.msk [tilespmem:v5+s14+$0x0], $0xffff;
	v2 =	vadd.f32 v2, v3;
	v3 =	vmul.f32 v4, v11  }
0x75: {  	v4 =	vld.idx.msk [tilespmem:v5+s15+$0x0], $0xffff;
	v5 =	vor.u32 $0x8, v1  }
0x76: {  	v32 =	vld.idx.msk [tilespmem:v28+s14+$0x0], $0xffff;
	v2 =	vadd.f32 v3, v2;
	v3 =	vmul.f32 v27, v12  }
0x77: {  	v34 =	vor.u32 $0x9, v1;
	v33 =	vld.idx.msk [tilespmem:v28+s15+$0x0], $0xffff  }
0x78: {  	v35 =	vld.idx.msk [tilespmem:v30+s14+$0x0], $0xffff;
	v2 =	vadd.f32 v3, v2;
	v3 =	vmul.f32 v29, v13  }
0x79: {  	v37 =	vor.u32 $0xA, v1;
	v36 =	vld.idx.msk [tilespmem:v30+s15+$0x0], $0xffff  }
0x7a: {  	v38 =	vld.idx.msk [tilespmem:v5+s14+$0x0], $0xffff;
	v2 =	vadd.f32 v3, v2;
	v3 =	vmul.f32 v4, v31  }
0x7b: {  	v4 =	vld.idx.msk [tilespmem:v5+s15+$0x0], $0xffff;
	v5 =	vor.u32 $0xB, v1  }
0x7c: {  	v39 =	vld.idx.msk [tilespmem:v34+s14+$0x0], $0xffff;
	v2 =	vadd.f32 v3, v2;
	v3 =	vmul.f32 v33, v32  }
0x7d: {  	v41 =	vor.u32 $0xC, v1;
	v40 =	vld.idx.msk [tilespmem:v34+s15+$0x0], $0xffff  }
0x7e: {  	v42 =	vld.idx.msk [tilespmem:v37+s14+$0x0], $0xffff;
	v2 =	vadd.f32 v3, v2;
	v3 =	vmul.f32 v36, v35  }
0x7f: {  	v44 =	vor.u32 $0xD, v1;
	v43 =	vld.idx.msk [tilespmem:v37+s15+$0x0], $0xffff  }
0x80: {  	v45 =	vld.idx.msk [tilespmem:v5+s14+$0x0], $0xffff;
	v2 =	vadd.f32 v3, v2;
	v3 =	vmul.f32 v4, v38  }
0x81: {  	v4 =	vld.idx.msk [tilespmem:v5+s15+$0x0], $0xffff;
	v5 =	vor.u32 $0xE, v1  }
0x82: {  	v46 =	vld.idx.msk [tilespmem:v41+s14+$0x0], $0xffff;
	v2 =	vadd.f32 v3, v2;
	v3 =	vmul.f32 v40, v39  }
0x83: {  	v48 =	vor.u32 $0xF, v1;
	v47 =	vld.idx.msk [tilespmem:v41+s15+$0x0], $0xffff  }
0x84: {  	v49 =	vld.idx.msk [tilespmem:v44+s14+$0x0], $0xffff;
	v2 =	vadd.f32 v3, v2;
	v3 =	vmul.f32 v43, v42  }
0x85: {  	v51 =	vor.u32 $0x10, v1;
	v50 =	vld.idx.msk [tilespmem:v44+s15+$0x0], $0xffff  }
0x86: {  	v52 =	vld.idx.msk [tilespmem:v5+s14+$0x0], $0xffff;
	v2 =	vadd.f32 v3, v2;
	v3 =	vmul.f32 v4, v45  }
0x87: {  	v4 =	vld.idx.msk [tilespmem:v5+s15+$0x0], $0xffff;
	v5 =	vor.u32 $0x11, v1  }
0x88: {  	v53 =	vld.idx.msk [tilespmem:v48+s14+$0x0], $0xffff;
	v2 =	vadd.f32 v3, v2;
	v3 =	vmul.f32 v47, v46  }
0x89: {  	v55 =	vor.u32 $0x12, v1;
	v54 =	vld.idx.msk [tilespmem:v48+s15+$0x0], $0xffff  }
0x8a: {  	v56 =	vld.idx.msk [tilespmem:v51+s14+$0x0], $0xffff;
	v2 =	vadd.f32 v3, v2;
	v3 =	vmul.f32 v50, v49  }
0x8b: {  	v58 =	vor.u32 $0x13, v1;
	v57 =	vld.idx.msk [tilespmem:v51+s15+$0x0], $0xffff  }
0x8c: {  	v59 =	vld.idx.msk [tilespmem:v5+s14+$0x0], $0xffff;
	v2 =	vadd.f32 v3, v2;
	v3 =	vmul.f32 v4, v52  }
0x8d: {  	v4 =	vld.idx.msk [tilespmem:v5+s15+$0x0], $0xffff;
	v5 =	vor.u32 $0x14, v1  }
0x8e: {  	v60 =	vld.idx.msk [tilespmem:v55+s14+$0x0], $0xffff;
	v2 =	vadd.f32 v3, v2;
	v3 =	vmul.f32 v54, v53  }
0x8f: {  	v62 =	vor.u32 $0x15, v1;
	v61 =	vld.idx.msk [tilespmem:v55+s15+$0x0], $0xffff  }
0x90: {  	v63 =	vld.idx.msk [tilespmem:v58+s14+$0x0], $0xffff;
	v2 =	vadd.f32 v3, v2;
	v3 =	vmul.f32 v57, v56  }
0x91: {  	v17 =	vor.u32 $0x16, v1;
	v16 =	vld.idx.msk [tilespmem:v58+s15+$0x0], $0xffff  }
0x92: {  	v18 =	vld.idx.msk [tilespmem:v5+s14+$0x0], $0xffff;
	v2 =	vadd.f32 v3, v2;
	v3 =	vmul.f32 v4, v59  }
0x93: {  	v4 =	vld.idx.msk [tilespmem:v5+s15+$0x0], $0xffff;
	v5 =	vor.u32 $0x17, v1  }
0x94: {  	v19 =	vld.idx.msk [tilespmem:v62+s14+$0x0], $0xffff;
	v2 =	vadd.f32 v3, v2;
	v3 =	vmul.f32 v61, v60  }
0x95: {  	v21 =	vor.u32 $0x18, v1;
	v20 =	vld.idx.msk [tilespmem:v62+s15+$0x0], $0xffff  }
0x96: {  	v22 =	vld.idx.msk [tilespmem:v17+s14+$0x0], $0xffff;
	v2 =	vadd.f32 v3, v2;
	v3 =	vmul.f32 v16, v63  }
0x97: {  	v24 =	vor.u32 $0x19, v1;
	v23 =	vld.idx.msk [tilespmem:v17+s15+$0x0], $0xffff  }
0x98: {  	v25 =	vld.idx.msk [tilespmem:v5+s14+$0x0], $0xffff;
	v2 =	vadd.f32 v3, v2;
	v3 =	vmul.f32 v4, v18  }
0x99: {  	v4 =	vld.idx.msk [tilespmem:v5+s15+$0x0], $0xffff;
	v5 =	vor.u32 $0x1A, v1  }
0x9a: {  	v26 =	vld.idx.msk [tilespmem:v21+s14+$0x0], $0xffff;
	v2 =	vadd.f32 v3, v2;
	v3 =	vmul.f32 v20, v19  }
0x9b: {  	v28 =	vor.u32 $0x1B, v1;
	v27 =	vld.idx.msk [tilespmem:v21+s15+$0x0], $0xffff  }
0x9c: {  	v30 =	vld.idx.msk [tilespmem:v24+s15+$0x0], $0xffff;
	v2 =	vadd.f32 v3, v2;
	v3 =	vmul.f32 v23, v22  }
0x9d: {  	v29 =	vld.idx.msk [tilespmem:v24+s14+$0x0], $0xffff;
	v31 =	vor.u32 $0x1C, v1  }
0x9e: {  	v32 =	vld.idx.msk [tilespmem:v5+s14+$0x0], $0xffff;
	v2 =	vadd.f32 v3, v2;
	v3 =	vmul.f32 v4, v25  }
0x9f: {  	v4 =	vld.idx.msk [tilespmem:v5+s15+$0x0], $0xffff;
	v5 =	vor.u32 $0x1D, v1  }
0xa0: {  	v34 =	vld.idx.msk [tilespmem:v28+s15+$0x0], $0xffff;
	v2 =	vadd.f32 v3, v2;
	v3 =	vmul.f32 v27, v26  }
0xa1: {  	v33 =	vld.idx.msk [tilespmem:v28+s14+$0x0], $0xffff;
	v35 =	vor.u32 $0x1E, v1  }
0xa2: {  	v36 =	vld.idx.msk [tilespmem:v31+s14+$0x0], $0xffff;
	v2 =	vadd.f32 v3, v2;
	v3 =	vmul.f32 v30, v29  }
0xa3: {  	v37 =	vld.idx.msk [tilespmem:v31+s15+$0x0], $0xffff;
	v1 =	vor.u32 $0x1F, v1  }
0xa4: {  	v38 =	vld.idx.msk [tilespmem:v5+s14+$0x0], $0xffff;
	v2 =	vadd.f32 v3, v2;
	v3 =	vmul.f32 v4, v32  }
0xa5: {  	v4 =	vld.idx.msk [tilespmem:v5+s15+$0x0], $0xffff  }
0xa6: {  	v39 =	vld.idx.msk [tilespmem:v35+s15+$0x0], $0xffff;
	v2 =	vadd.f32 v3, v2;
	v3 =	vmul.f32 v34, v33  }
0xa7: {  	v5 =	vld.idx.msk [tilespmem:v35+s14+$0x0], $0xffff  }
0xa8: {  	v40 =	vld.idx.msk [tilespmem:v1+s14+$0x0], $0xffff;
	v2 =	vadd.f32 v3, v2;
	v3 =	vmul.f32 v37, v36  }
0xa9: {  	v1 =	vld.idx.msk [tilespmem:v1+s15+$0x0], $0xffff  }
0xaa: {  	v2 =	vadd.f32 v3, v2;
	v3 =	vmul.f32 v4, v38;
	_ =	sdelay $0x1  }
0xab: {  	v2 =	vadd.f32 v3, v2;
	v3 =	vmul.f32 v39, v5  }
0xac: {  	s24 =	simm.s32 $0x10  }
0xad: {  	v4 =	vmov s24;
	v2 =	vadd.f32 v3, v2;
	v3 =	vmul.f32 v1, v40  }
0xae: {  	v1 =	vshll.u32 v4, $0x5  }
0xaf: {  	v1 =	vor.u32 v0, v1;
	v2 =	vadd.f32 v3, v2;
	_ =	sdelay $0x1  }
0xb0: {  	s20 =	simm.s32 $0x8610;
	v3 =	vor.u32 $0x1, v1;
	[tilespmem:s18+$0x0] =	vst v2  }
0xb1: {  	s22 =	simm.s32 $0x8410;
	v2 =	vld [tilespmem:s20+$0x0]  }
0xb2: {  	v4 =	vor.u32 $0x2, v1;
	v5 =	vld [tilespmem:s22+$0x0]  }
0xb3: {  	v41 =	vld.idx.msk [tilespmem:v1+s14+$0x0], $0xffff  }
0xb4: {  	v43 =	vor.u32 $0x3, v1;
	v42 =	vld.idx.msk [tilespmem:v1+s15+$0x0], $0xffff  }
0xb5: {  	v44 =	vld.idx.msk [tilespmem:v3+s14+$0x0], $0xffff  }
0xb6: {  	v45 =	vor.u32 $0x4, v1;
	v3 =	vld.idx.msk [tilespmem:v3+s15+$0x0], $0xffff  }
0xb7: {  	v46 =	vld.idx.msk [tilespmem:v4+s14+$0x0], $0xffff;
	v2 =	vadd.f32 v2, v5  }
0xb8: {  	v4 =	vld.idx.msk [tilespmem:v4+s15+$0x0], $0xffff;
	v5 =	vor.u32 $0x5, v1  }
0xb9: {  	v47 =	vld.idx.msk [tilespmem:v43+s14+$0x0], $0xffff;
	v6 =	vmul.f32 v42, v41;
	v2 =	vadd.f32 $3.500000000e+00, v2  }
0xba: {  	v49 =	vor.u32 $0x6, v1;
	v48 =	vld.idx.msk [tilespmem:v43+s15+$0x0], $0xffff  }
0xbb: {  	v50 =	vld.idx.msk [tilespmem:v45+s14+$0x0], $0xffff;
	v3 =	vmul.f32 v3, v44;
	v2 =	vadd.f32 v6, v2  }
0xbc: {  	v52 =	vor.u32 $0x7, v1;
	v51 =	vld.idx.msk [tilespmem:v45+s15+$0x0], $0xffff  }
0xbd: {  	v53 =	vld.idx.msk [tilespmem:v5+s14+$0x0], $0xffff;
	v2 =	vadd.f32 v3, v2;
	v3 =	vmul.f32 v4, v46  }
0xbe: {  	v4 =	vld.idx.msk [tilespmem:v5+s15+$0x0], $0xffff;
	v5 =	vor.u32 $0x8, v1  }
0xbf: {  	v54 =	vld.idx.msk [tilespmem:v49+s14+$0x0], $0xffff;
	v2 =	vadd.f32 v3, v2;
	v3 =	vmul.f32 v48, v47  }
0xc0: {  	v56 =	vor.u32 $0x9, v1;
	v55 =	vld.idx.msk [tilespmem:v49+s15+$0x0], $0xffff  }
0xc1: {  	v57 =	vld.idx.msk [tilespmem:v52+s14+$0x0], $0xffff;
	v2 =	vadd.f32 v3, v2;
	v3 =	vmul.f32 v51, v50  }
0xc2: {  	v59 =	vor.u32 $0xA, v1;
	v58 =	vld.idx.msk [tilespmem:v52+s15+$0x0], $0xffff  }
0xc3: {  	v60 =	vld.idx.msk [tilespmem:v5+s14+$0x0], $0xffff;
	v2 =	vadd.f32 v3, v2;
	v3 =	vmul.f32 v4, v53  }
0xc4: {  	v4 =	vld.idx.msk [tilespmem:v5+s15+$0x0], $0xffff;
	v5 =	vor.u32 $0xB, v1  }
0xc5: {  	v61 =	vld.idx.msk [tilespmem:v56+s14+$0x0], $0xffff;
	v2 =	vadd.f32 v3, v2;
	v3 =	vmul.f32 v55, v54  }
0xc6: {  	v63 =	vor.u32 $0xC, v1;
	v62 =	vld.idx.msk [tilespmem:v56+s15+$0x0], $0xffff  }
0xc7: {  	v16 =	vld.idx.msk [tilespmem:v59+s14+$0x0], $0xffff;
	v2 =	vadd.f32 v3, v2;
	v3 =	vmul.f32 v58, v57  }
0xc8: {  	v18 =	vor.u32 $0xD, v1;
	v17 =	vld.idx.msk [tilespmem:v59+s15+$0x0], $0xffff  }
0xc9: {  	v19 =	vld.idx.msk [tilespmem:v5+s14+$0x0], $0xffff;
	v2 =	vadd.f32 v3, v2;
	v3 =	vmul.f32 v4, v60  }
0xca: {  	v4 =	vld.idx.msk [tilespmem:v5+s15+$0x0], $0xffff;
	v5 =	vor.u32 $0xE, v1  }
0xcb: {  	v20 =	vld.idx.msk [tilespmem:v63+s14+$0x0], $0xffff;
	v2 =	vadd.f32 v3, v2;
	v3 =	vmul.f32 v62, v61  }
0xcc: {  	v22 =	vor.u32 $0xF, v1;
	v21 =	vld.idx.msk [tilespmem:v63+s15+$0x0], $0xffff  }
0xcd: {  	v23 =	vld.idx.msk [tilespmem:v18+s14+$0x0], $0xffff;
	v2 =	vadd.f32 v3, v2;
	v3 =	vmul.f32 v17, v16  }
0xce: {  	v25 =	vor.u32 $0x10, v1;
	v24 =	vld.idx.msk [tilespmem:v18+s15+$0x0], $0xffff  }
0xcf: {  	v26 =	vld.idx.msk [tilespmem:v5+s14+$0x0], $0xffff;
	v2 =	vadd.f32 v3, v2;
	v3 =	vmul.f32 v4, v19  }
0xd0: {  	v4 =	vld.idx.msk [tilespmem:v5+s15+$0x0], $0xffff;
	v5 =	vor.u32 $0x11, v1  }
0xd1: {  	v27 =	vld.idx.msk [tilespmem:v22+s14+$0x0], $0xffff;
	v2 =	vadd.f32 v3, v2;
	v3 =	vmul.f32 v21, v20  }
0xd2: {  	v29 =	vor.u32 $0x12, v1;
	v28 =	vld.idx.msk [tilespmem:v22+s15+$0x0], $0xffff  }
0xd3: {  	v30 =	vld.idx.msk [tilespmem:v25+s14+$0x0], $0xffff;
	v2 =	vadd.f32 v3, v2;
	v3 =	vmul.f32 v24, v23  }
0xd4: {  	v32 =	vor.u32 $0x13, v1;
	v31 =	vld.idx.msk [tilespmem:v25+s15+$0x0], $0xffff  }
0xd5: {  	v33 =	vld.idx.msk [tilespmem:v5+s14+$0x0], $0xffff;
	v2 =	vadd.f32 v3, v2;
	v3 =	vmul.f32 v4, v26  }
0xd6: {  	v4 =	vld.idx.msk [tilespmem:v5+s15+$0x0], $0xffff;
	v5 =	vor.u32 $0x14, v1  }
0xd7: {  	v34 =	vld.idx.msk [tilespmem:v29+s14+$0x0], $0xffff;
	v2 =	vadd.f32 v3, v2;
	v3 =	vmul.f32 v28, v27  }
0xd8: {  	v36 =	vor.u32 $0x15, v1;
	v35 =	vld.idx.msk [tilespmem:v29+s15+$0x0], $0xffff  }
0xd9: {  	v37 =	vld.idx.msk [tilespmem:v32+s14+$0x0], $0xffff;
	v2 =	vadd.f32 v3, v2;
	v3 =	vmul.f32 v31, v30  }
0xda: {  	v39 =	vor.u32 $0x16, v1;
	v38 =	vld.idx.msk [tilespmem:v32+s15+$0x0], $0xffff  }
0xdb: {  	v40 =	vld.idx.msk [tilespmem:v5+s14+$0x0], $0xffff;
	v2 =	vadd.f32 v3, v2;
	v3 =	vmul.f32 v4, v33  }
0xdc: {  	v4 =	vld.idx.msk [tilespmem:v5+s15+$0x0], $0xffff;
	v5 =	vor.u32 $0x17, v1  }
0xdd: {  	v41 =	vld.idx.msk [tilespmem:v36+s14+$0x0], $0xffff;
	v2 =	vadd.f32 v3, v2;
	v3 =	vmul.f32 v35, v34  }
0xde: {  	v43 =	vor.u32 $0x18, v1;
	v42 =	vld.idx.msk [tilespmem:v36+s15+$0x0], $0xffff  }
0xdf: {  	v45 =	vld.idx.msk [tilespmem:v39+s15+$0x0], $0xffff;
	v2 =	vadd.f32 v3, v2;
	v3 =	vmul.f32 v38, v37  }
0xe0: {  	v44 =	vld.idx.msk [tilespmem:v39+s14+$0x0], $0xffff;
	v46 =	vor.u32 $0x19, v1  }
0xe1: {  	v47 =	vld.idx.msk [tilespmem:v5+s14+$0x0], $0xffff;
	v2 =	vadd.f32 v3, v2;
	v3 =	vmul.f32 v4, v40  }
0xe2: {  	v4 =	vld.idx.msk [tilespmem:v5+s15+$0x0], $0xffff;
	v5 =	vor.u32 $0x1A, v1  }
0xe3: {  	v49 =	vld.idx.msk [tilespmem:v43+s15+$0x0], $0xffff;
	v2 =	vadd.f32 v3, v2;
	v3 =	vmul.f32 v42, v41  }
0xe4: {  	v48 =	vld.idx.msk [tilespmem:v43+s14+$0x0], $0xffff;
	v50 =	vor.u32 $0x1B, v1  }
0xe5: {  	v51 =	vld.idx.msk [tilespmem:v46+s14+$0x0], $0xffff;
	v2 =	vadd.f32 v3, v2;
	v3 =	vmul.f32 v45, v44  }
0xe6: {  	v52 =	vld.idx.msk [tilespmem:v46+s15+$0x0], $0xffff;
	v53 =	vor.u32 $0x1C, v1  }
0xe7: {  	v54 =	vld.idx.msk [tilespmem:v5+s14+$0x0], $0xffff;
	v2 =	vadd.f32 v3, v2;
	v3 =	vmul.f32 v4, v47  }
0xe8: {  	v4 =	vld.idx.msk [tilespmem:v5+s15+$0x0], $0xffff;
	v5 =	vor.u32 $0x1D, v1  }
0xe9: {  	v55 =	vld.idx.msk [tilespmem:v50+s14+$0x0], $0xffff;
	v2 =	vadd.f32 v3, v2;
	v3 =	vmul.f32 v49, v48  }
0xea: {  	v56 =	vld.idx.msk [tilespmem:v50+s15+$0x0], $0xffff;
	v57 =	vor.u32 $0x1E, v1  }
0xeb: {  	v58 =	vld.idx.msk [tilespmem:v53+s14+$0x0], $0xffff;
	v2 =	vadd.f32 v3, v2;
	v3 =	vmul.f32 v52, v51  }
0xec: {  	v59 =	vld.idx.msk [tilespmem:v53+s15+$0x0], $0xffff;
	v1 =	vor.u32 $0x1F, v1  }
0xed: {  	v60 =	vld.idx.msk [tilespmem:v5+s14+$0x0], $0xffff;
	v2 =	vadd.f32 v3, v2;
	v3 =	vmul.f32 v4, v54  }
0xee: {  	v4 =	vld.idx.msk [tilespmem:v5+s15+$0x0], $0xffff  }
0xef: {  	v61 =	vld.idx.msk [tilespmem:v57+s15+$0x0], $0xffff;
	v2 =	vadd.f32 v3, v2;
	v3 =	vmul.f32 v56, v55  }
0xf0: {  	v5 =	vld.idx.msk [tilespmem:v57+s14+$0x0], $0xffff  }
0xf1: {  	v62 =	vld.idx.msk [tilespmem:v1+s14+$0x0], $0xffff;
	v2 =	vadd.f32 v3, v2;
	v3 =	vmul.f32 v59, v58  }
0xf2: {  	v63 =	vld.idx.msk [tilespmem:v1+s15+$0x0], $0xffff  }
0xf3: {  	v1 =	vadd.f32 v3, v2;
	v2 =	vmul.f32 v4, v60;
	_ =	sdelay $0x1  }
0xf4: {  	s25 =	simm.s32 $0x20;
	v4 =	vmul.f32 v61, v5;
	v2 =	vadd.f32 v2, v1  }
0xf5: {  	v3 =	vmov s25  }
0xf6: {  	v1 =	vshll.u32 v3, $0x5;
	v3 =	vmul.f32 v63, v62;
	v2 =	vadd.f32 v4, v2  }
0xf7: {  	s24 =	simm.s32 $0x8800;
	s25 =	simm.s32 $0x30;
	v1 =	vor.u32 v0, v1  }
.LBB2_2:
0xf8: {  	p0 =	sne.s32 s25, $0x1F0;
	v2 =	vadd.f32 v3, v2  }
0xf9: {  	s24 =	sadd.s32 $0x10, s24  }
0xfa: {  	v3 =	vor.u32 $0x1, v1;
	[tilespmem:s24+$0x0] =	vst v2  }
0xfb: {  	s20 =	sadd.s32 $0x10, s20;
	v2 =	vld.idx.msk [tilespmem:v1+s14+$0x0], $0xffff  }
0xfc: {  	v5 =	vor.u32 $0x2, v1;
	s22 =	sadd.s32 $0x10, s22;
	v4 =	vld [tilespmem:s20+$0x0]  }
0xfd: {  	v6 =	vld [tilespmem:s22+$0x0]  }
0xfe: {  	v8 =	vor.u32 $0x3, v1;
	v7 =	vld.idx.msk [tilespmem:v1+s15+$0x0], $0xffff  }
0xff: {  	v9 =	vld.idx.msk [tilespmem:v3+s14+$0x0], $0xffff  }
0x100: {  	v10 =	vor.u32 $0x4, v1;
	v3 =	vld.idx.msk [tilespmem:v3+s15+$0x0], $0xffff  }
0x101: {  	v11 =	vld.idx.msk [tilespmem:v5+s14+$0x0], $0xffff  }
0x102: {  	v4 =	vadd.f32 v4, v6;
	v5 =	vld.idx.msk [tilespmem:v5+s15+$0x0], $0xffff;
	v6 =	vor.u32 $0x5, v1  }
0x103: {  	v12 =	vld.idx.msk [tilespmem:v8+s14+$0x0], $0xffff  }
0x104: {  	v2 =	vmul.f32 v7, v2;
	v4 =	vadd.f32 $3.500000000e+00, v4;
	v7 =	vld.idx.msk [tilespmem:v8+s15+$0x0], $0xffff;
	v8 =	vor.u32 $0x6, v1  }
0x105: {  	v13 =	vld.idx.msk [tilespmem:v10+s14+$0x0], $0xffff  }
0x106: {  	v3 =	vmul.f32 v3, v9;
	v9 =	vor.u32 $0x7, v1;
	v2 =	vadd.f32 v2, v4;
	v4 =	vld.idx.msk [tilespmem:v10+s15+$0x0], $0xffff  }
0x107: {  	v10 =	vld.idx.msk [tilespmem:v6+s14+$0x0], $0xffff  }
0x108: {  	v2 =	vadd.f32 v3, v2;
	v3 =	vmul.f32 v5, v11;
	v5 =	vld.idx.msk [tilespmem:v6+s15+$0x0], $0xffff;
	v6 =	vor.u32 $0x8, v1  }
0x109: {  	v11 =	vld.idx.msk [tilespmem:v8+s14+$0x0], $0xffff  }
0x10a: {  	v2 =	vadd.f32 v3, v2;
	v3 =	vmul.f32 v7, v12;
	v7 =	vld.idx.msk [tilespmem:v8+s15+$0x0], $0xffff;
	v8 =	vor.u32 $0x9, v1  }
0x10b: {  	v12 =	vld.idx.msk [tilespmem:v9+s14+$0x0], $0xffff  }
0x10c: {  	v2 =	vadd.f32 v3, v2;
	v3 =	vmul.f32 v4, v13;
	v4 =	vld.idx.msk [tilespmem:v9+s15+$0x0], $0xffff;
	v9 =	vor.u32 $0xA, v1  }
0x10d: {  	v13 =	vld.idx.msk [tilespmem:v6+s14+$0x0], $0xffff  }
0x10e: {  	v2 =	vadd.f32 v3, v2;
	v3 =	vmul.f32 v5, v10;
	v5 =	vld.idx.msk [tilespmem:v6+s15+$0x0], $0xffff;
	v6 =	vor.u32 $0xB, v1  }
0x10f: {  	v10 =	vld.idx.msk [tilespmem:v8+s14+$0x0], $0xffff  }
0x110: {  	v2 =	vadd.f32 v3, v2;
	v3 =	vmul.f32 v7, v11;
	v7 =	vld.idx.msk [tilespmem:v8+s15+$0x0], $0xffff;
	v8 =	vor.u32 $0xC, v1  }
0x111: {  	v11 =	vld.idx.msk [tilespmem:v9+s14+$0x0], $0xffff  }
0x112: {  	v2 =	vadd.f32 v3, v2;
	v3 =	vmul.f32 v4, v12;
	v4 =	vld.idx.msk [tilespmem:v9+s15+$0x0], $0xffff;
	v9 =	vor.u32 $0xD, v1  }
0x113: {  	v12 =	vld.idx.msk [tilespmem:v6+s14+$0x0], $0xffff  }
0x114: {  	v2 =	vadd.f32 v3, v2;
	v3 =	vmul.f32 v5, v13;
	v5 =	vld.idx.msk [tilespmem:v6+s15+$0x0], $0xffff;
	v6 =	vor.u32 $0xE, v1  }
0x115: {  	v13 =	vld.idx.msk [tilespmem:v8+s14+$0x0], $0xffff  }
0x116: {  	v2 =	vadd.f32 v3, v2;
	v3 =	vmul.f32 v7, v10;
	v7 =	vld.idx.msk [tilespmem:v8+s15+$0x0], $0xffff;
	v8 =	vor.u32 $0xF, v1  }
0x117: {  	v10 =	vld.idx.msk [tilespmem:v9+s14+$0x0], $0xffff  }
0x118: {  	v2 =	vadd.f32 v3, v2;
	v3 =	vmul.f32 v4, v11;
	v4 =	vld.idx.msk [tilespmem:v9+s15+$0x0], $0xffff;
	v9 =	vor.u32 $0x10, v1  }
0x119: {  	v11 =	vld.idx.msk [tilespmem:v6+s14+$0x0], $0xffff  }
0x11a: {  	v2 =	vadd.f32 v3, v2;
	v3 =	vmul.f32 v5, v12;
	v5 =	vld.idx.msk [tilespmem:v6+s15+$0x0], $0xffff;
	v6 =	vor.u32 $0x11, v1  }
0x11b: {  	v12 =	vld.idx.msk [tilespmem:v8+s14+$0x0], $0xffff  }
0x11c: {  	v2 =	vadd.f32 v3, v2;
	v3 =	vmul.f32 v7, v13;
	v7 =	vld.idx.msk [tilespmem:v8+s15+$0x0], $0xffff;
	v8 =	vor.u32 $0x12, v1  }
0x11d: {  	v13 =	vld.idx.msk [tilespmem:v9+s14+$0x0], $0xffff  }
0x11e: {  	v2 =	vadd.f32 v3, v2;
	v3 =	vmul.f32 v4, v10;
	v4 =	vld.idx.msk [tilespmem:v9+s15+$0x0], $0xffff;
	v9 =	vor.u32 $0x13, v1  }
0x11f: {  	v10 =	vld.idx.msk [tilespmem:v6+s14+$0x0], $0xffff  }
0x120: {  	v2 =	vadd.f32 v3, v2;
	v3 =	vmul.f32 v5, v11;
	v5 =	vld.idx.msk [tilespmem:v6+s15+$0x0], $0xffff;
	v6 =	vor.u32 $0x14, v1  }
0x121: {  	v11 =	vld.idx.msk [tilespmem:v8+s14+$0x0], $0xffff  }
0x122: {  	v2 =	vadd.f32 v3, v2;
	v3 =	vmul.f32 v7, v12;
	v7 =	vld.idx.msk [tilespmem:v8+s15+$0x0], $0xffff;
	v8 =	vor.u32 $0x15, v1  }
0x123: {  	v12 =	vld.idx.msk [tilespmem:v9+s14+$0x0], $0xffff  }
0x124: {  	v2 =	vadd.f32 v3, v2;
	v3 =	vmul.f32 v4, v13;
	v4 =	vld.idx.msk [tilespmem:v9+s15+$0x0], $0xffff;
	v9 =	vor.u32 $0x16, v1  }
0x125: {  	v13 =	vld.idx.msk [tilespmem:v6+s14+$0x0], $0xffff  }
0x126: {  	v2 =	vadd.f32 v3, v2;
	v3 =	vmul.f32 v5, v10;
	v5 =	vld.idx.msk [tilespmem:v6+s15+$0x0], $0xffff;
	v6 =	vor.u32 $0x17, v1  }
0x127: {  	v10 =	vld.idx.msk [tilespmem:v8+s14+$0x0], $0xffff  }
0x128: {  	v2 =	vadd.f32 v3, v2;
	v3 =	vmul.f32 v7, v11;
	v7 =	vld.idx.msk [tilespmem:v8+s15+$0x0], $0xffff;
	v8 =	vor.u32 $0x18, v1  }
0x129: {  	v11 =	vld.idx.msk [tilespmem:v9+s14+$0x0], $0xffff  }
0x12a: {  	v2 =	vadd.f32 v3, v2;
	v3 =	vmul.f32 v4, v12;
	v4 =	vld.idx.msk [tilespmem:v9+s15+$0x0], $0xffff;
	v9 =	vor.u32 $0x19, v1  }
0x12b: {  	v12 =	vld.idx.msk [tilespmem:v6+s14+$0x0], $0xffff  }
0x12c: {  	v2 =	vadd.f32 v3, v2;
	v3 =	vmul.f32 v5, v13;
	v5 =	vld.idx.msk [tilespmem:v6+s15+$0x0], $0xffff;
	v6 =	vor.u32 $0x1A, v1  }
0x12d: {  	v13 =	vld.idx.msk [tilespmem:v8+s14+$0x0], $0xffff  }
0x12e: {  	v2 =	vadd.f32 v3, v2;
	v3 =	vmul.f32 v7, v10;
	v7 =	vld.idx.msk [tilespmem:v8+s15+$0x0], $0xffff;
	v8 =	vor.u32 $0x1B, v1  }
0x12f: {  	v10 =	vld.idx.msk [tilespmem:v9+s14+$0x0], $0xffff  }
0x130: {  	v2 =	vadd.f32 v3, v2;
	v3 =	vmul.f32 v4, v11;
	v4 =	vld.idx.msk [tilespmem:v9+s15+$0x0], $0xffff;
	v9 =	vor.u32 $0x1C, v1  }
0x131: {  	v11 =	vld.idx.msk [tilespmem:v6+s14+$0x0], $0xffff  }
0x132: {  	v2 =	vadd.f32 v3, v2;
	v3 =	vmul.f32 v5, v12;
	v5 =	vld.idx.msk [tilespmem:v6+s15+$0x0], $0xffff;
	v6 =	vor.u32 $0x1D, v1  }
0x133: {  	v12 =	vld.idx.msk [tilespmem:v8+s14+$0x0], $0xffff  }
0x134: {  	v2 =	vadd.f32 v3, v2;
	v3 =	vmul.f32 v7, v13;
	v7 =	vld.idx.msk [tilespmem:v8+s15+$0x0], $0xffff;
	v8 =	vor.u32 $0x1E, v1  }
0x135: {  	v13 =	vld.idx.msk [tilespmem:v9+s14+$0x0], $0xffff  }
0x136: {  	v1 =	vor.u32 $0x1F, v1;
	v2 =	vadd.f32 v3, v2;
	v3 =	vmul.f32 v4, v10;
	v4 =	vld.idx.msk [tilespmem:v9+s15+$0x0], $0xffff  }
0x137: {  	v9 =	vld.idx.msk [tilespmem:v6+s14+$0x0], $0xffff  }
0x138: {  	v2 =	vadd.f32 v3, v2;
	v3 =	vmul.f32 v5, v11;
	v5 =	vld.idx.msk [tilespmem:v6+s15+$0x0], $0xffff  }
0x139: {  	v6 =	vld.idx.msk [tilespmem:v8+s14+$0x0], $0xffff  }
0x13a: {  	v2 =	vadd.f32 v3, v2;
	v3 =	vmul.f32 v7, v12;
	v7 =	vld.idx.msk [tilespmem:v8+s15+$0x0], $0xffff  }
0x13b: {  	v8 =	vld.idx.msk [tilespmem:v1+s14+$0x0], $0xffff  }
0x13c: {  	v2 =	vadd.f32 v3, v2;
	v3 =	vmul.f32 v4, v13;
	v4 =	vld.idx.msk [tilespmem:v1+s15+$0x0], $0xffff;
	_ =	sdelay $0x1  }
0x13d: {  	v1 =	vadd.f32 v3, v2;
	v2 =	vmul.f32 v5, v9  }
.Ltmp0:
0x13e: {  	(pc) =	sbr.rel @p0 .LBB2_2-.Ltmp0, $4  }
0x13f: {  	v3 =	vmov s25;
	v5 =	vmul.f32 v7, v6;
	v2 =	vadd.f32 v2, v1  }
0x140: {  	v1 =	vshll.u32 v3, $0x5  }
0x141: {  	v1 =	vor.u32 v0, v1;
	v3 =	vmul.f32 v4, v8;
	v2 =	vadd.f32 v5, v2  }
0x142: {  	s25 =	sadd.s32 $0x10, s25  }
0x143: {  	v2 =	vadd.f32 v3, v2  }
0x144: {  	s24 =	sadd.s32 $0x10, s24  }
0x145: {  	v3 =	vor.u32 $0x1, v1;
	s20 =	sadd.s32 $0x10, s20;
	[tilespmem:s24+$0x0] =	vst v2  }
0x146: {  	s22 =	sadd.s32 $0x10, s22;
	v2 =	vld [tilespmem:s20+$0x0]  }
0x147: {  	v4 =	vor.u32 $0x2, v1;
	v5 =	vld [tilespmem:s22+$0x0]  }
0x148: {  	v6 =	vld.idx.msk [tilespmem:v1+s14+$0x0], $0xffff  }
0x149: {  	v8 =	vor.u32 $0x3, v1;
	v7 =	vld.idx.msk [tilespmem:v1+s15+$0x0], $0xffff  }
0x14a: {  	v9 =	vld.idx.msk [tilespmem:v3+s14+$0x0], $0xffff  }
0x14b: {  	v10 =	vor.u32 $0x4, v1;
	v3 =	vld.idx.msk [tilespmem:v3+s15+$0x0], $0xffff  }
0x14c: {  	v11 =	vld.idx.msk [tilespmem:v4+s14+$0x0], $0xffff;
	v2 =	vadd.f32 v2, v5  }
0x14d: {  	v31 =	vor.u32 $0x5, v1;
	v4 =	vld.idx.msk [tilespmem:v4+s15+$0x0], $0xffff  }
0x14e: {  	v12 =	vld.idx.msk [tilespmem:v8+s14+$0x0], $0xffff;
	v6 =	vmul.f32 v7, v6;
	v2 =	vadd.f32 $3.500000000e+00, v2  }
0x14f: {  	v33 =	vor.u32 $0x6, v1;
	v32 =	vld.idx.msk [tilespmem:v8+s15+$0x0], $0xffff  }
0x150: {  	v13 =	vld.idx.msk [tilespmem:v10+s14+$0x0], $0xffff;
	v3 =	vmul.f32 v3, v9;
	v2 =	vadd.f32 v6, v2  }
0x151: {  	v35 =	vor.u32 $0x7, v1;
	v34 =	vld.idx.msk [tilespmem:v10+s15+$0x0], $0xffff  }
0x152: {  	v36 =	vld.idx.msk [tilespmem:v31+s14+$0x0], $0xffff;
	v2 =	vadd.f32 v3, v2;
	v3 =	vmul.f32 v4, v11  }
0x153: {  	v38 =	vor.u32 $0x8, v1;
	v37 =	vld.idx.msk [tilespmem:v31+s15+$0x0], $0xffff  }
0x154: {  	v39 =	vld.idx.msk [tilespmem:v33+s14+$0x0], $0xffff;
	v2 =	vadd.f32 v3, v2;
	v3 =	vmul.f32 v32, v12  }
0x155: {  	v41 =	vor.u32 $0x9, v1;
	v40 =	vld.idx.msk [tilespmem:v33+s15+$0x0], $0xffff  }
0x156: {  	v42 =	vld.idx.msk [tilespmem:v35+s14+$0x0], $0xffff;
	v2 =	vadd.f32 v3, v2;
	v3 =	vmul.f32 v34, v13  }
0x157: {  	v44 =	vor.u32 $0xA, v1;
	v43 =	vld.idx.msk [tilespmem:v35+s15+$0x0], $0xffff  }
0x158: {  	v45 =	vld.idx.msk [tilespmem:v38+s14+$0x0], $0xffff;
	v2 =	vadd.f32 v3, v2;
	v3 =	vmul.f32 v37, v36  }
0x159: {  	v47 =	vor.u32 $0xB, v1;
	v46 =	vld.idx.msk [tilespmem:v38+s15+$0x0], $0xffff  }
0x15a: {  	v48 =	vld.idx.msk [tilespmem:v41+s14+$0x0], $0xffff;
	v2 =	vadd.f32 v3, v2;
	v3 =	vmul.f32 v40, v39  }
0x15b: {  	v50 =	vor.u32 $0xC, v1;
	v49 =	vld.idx.msk [tilespmem:v41+s15+$0x0], $0xffff  }
0x15c: {  	v51 =	vld.idx.msk [tilespmem:v44+s14+$0x0], $0xffff;
	v2 =	vadd.f32 v3, v2;
	v3 =	vmul.f32 v43, v42  }
0x15d: {  	v53 =	vor.u32 $0xD, v1;
	v52 =	vld.idx.msk [tilespmem:v44+s15+$0x0], $0xffff  }
0x15e: {  	v54 =	vld.idx.msk [tilespmem:v47+s14+$0x0], $0xffff;
	v2 =	vadd.f32 v3, v2;
	v3 =	vmul.f32 v46, v45  }
0x15f: {  	v56 =	vor.u32 $0xE, v1;
	v55 =	vld.idx.msk [tilespmem:v47+s15+$0x0], $0xffff  }
0x160: {  	v57 =	vld.idx.msk [tilespmem:v50+s14+$0x0], $0xffff;
	v2 =	vadd.f32 v3, v2;
	v3 =	vmul.f32 v49, v48  }
0x161: {  	v59 =	vor.u32 $0xF, v1;
	v58 =	vld.idx.msk [tilespmem:v50+s15+$0x0], $0xffff  }
0x162: {  	v60 =	vld.idx.msk [tilespmem:v53+s14+$0x0], $0xffff;
	v2 =	vadd.f32 v3, v2;
	v3 =	vmul.f32 v52, v51  }
0x163: {  	v62 =	vor.u32 $0x10, v1;
	v61 =	vld.idx.msk [tilespmem:v53+s15+$0x0], $0xffff  }
0x164: {  	v63 =	vld.idx.msk [tilespmem:v56+s14+$0x0], $0xffff;
	v2 =	vadd.f32 v3, v2;
	v3 =	vmul.f32 v55, v54  }
0x165: {  	v17 =	vor.u32 $0x11, v1;
	v16 =	vld.idx.msk [tilespmem:v56+s15+$0x0], $0xffff  }
0x166: {  	v18 =	vld.idx.msk [tilespmem:v59+s14+$0x0], $0xffff;
	v2 =	vadd.f32 v3, v2;
	v3 =	vmul.f32 v58, v57  }
0x167: {  	v20 =	vor.u32 $0x12, v1;
	v19 =	vld.idx.msk [tilespmem:v59+s15+$0x0], $0xffff  }
0x168: {  	v21 =	vld.idx.msk [tilespmem:v62+s14+$0x0], $0xffff;
	v2 =	vadd.f32 v3, v2;
	v3 =	vmul.f32 v61, v60  }
0x169: {  	v23 =	vor.u32 $0x13, v1;
	v22 =	vld.idx.msk [tilespmem:v62+s15+$0x0], $0xffff  }
0x16a: {  	v24 =	vld.idx.msk [tilespmem:v17+s14+$0x0], $0xffff;
	v2 =	vadd.f32 v3, v2;
	v3 =	vmul.f32 v16, v63  }
0x16b: {  	v26 =	vor.u32 $0x14, v1;
	v25 =	vld.idx.msk [tilespmem:v17+s15+$0x0], $0xffff  }
0x16c: {  	v27 =	vld.idx.msk [tilespmem:v20+s14+$0x0], $0xffff;
	v2 =	vadd.f32 v3, v2;
	v3 =	vmul.f32 v19, v18  }
0x16d: {  	v29 =	vor.u32 $0x15, v1;
	v28 =	vld.idx.msk [tilespmem:v20+s15+$0x0], $0xffff  }
0x16e: {  	v30 =	vld.idx.msk [tilespmem:v23+s14+$0x0], $0xffff;
	v2 =	vadd.f32 v3, v2;
	v3 =	vmul.f32 v22, v21  }
0x16f: {  	v31 =	vld.idx.msk [tilespmem:v23+s15+$0x0], $0xffff;
	v32 =	vor.u32 $0x16, v1  }
0x170: {  	v33 =	vld.idx.msk [tilespmem:v26+s14+$0x0], $0xffff;
	v2 =	vadd.f32 v3, v2;
	v3 =	vmul.f32 v25, v24  }
0x171: {  	v35 =	vor.u32 $0x17, v1;
	v34 =	vld.idx.msk [tilespmem:v26+s15+$0x0], $0xffff  }
0x172: {  	v36 =	vld.idx.msk [tilespmem:v29+s14+$0x0], $0xffff;
	v2 =	vadd.f32 v3, v2;
	v3 =	vmul.f32 v28, v27  }
0x173: {  	v38 =	vor.u32 $0x18, v1;
	v37 =	vld.idx.msk [tilespmem:v29+s15+$0x0], $0xffff  }
0x174: {  	v39 =	vld.idx.msk [tilespmem:v32+s14+$0x0], $0xffff;
	v2 =	vadd.f32 v3, v2;
	v3 =	vmul.f32 v31, v30  }
0x175: {  	v41 =	vor.u32 $0x19, v1;
	v40 =	vld.idx.msk [tilespmem:v32+s15+$0x0], $0xffff  }
0x176: {  	v42 =	vld.idx.msk [tilespmem:v35+s14+$0x0], $0xffff;
	v2 =	vadd.f32 v3, v2;
	v3 =	vmul.f32 v34, v33  }
0x177: {  	v44 =	vor.u32 $0x1A, v1;
	v43 =	vld.idx.msk [tilespmem:v35+s15+$0x0], $0xffff  }
0x178: {  	v45 =	vld.idx.msk [tilespmem:v38+s14+$0x0], $0xffff;
	v2 =	vadd.f32 v3, v2;
	v3 =	vmul.f32 v37, v36  }
0x179: {  	v47 =	vor.u32 $0x1B, v1;
	v46 =	vld.idx.msk [tilespmem:v38+s15+$0x0], $0xffff  }
0x17a: {  	v48 =	vld.idx.msk [tilespmem:v41+s14+$0x0], $0xffff;
	v2 =	vadd.f32 v3, v2;
	v3 =	vmul.f32 v40, v39  }
0x17b: {  	v50 =	vor.u32 $0x1C, v1;
	v49 =	vld.idx.msk [tilespmem:v41+s15+$0x0], $0xffff  }
0x17c: {  	v51 =	vld.idx.msk [tilespmem:v44+s14+$0x0], $0xffff;
	v2 =	vadd.f32 v3, v2;
	v3 =	vmul.f32 v43, v42  }
0x17d: {  	v53 =	vor.u32 $0x1D, v1;
	v52 =	vld.idx.msk [tilespmem:v44+s15+$0x0], $0xffff  }
0x17e: {  	v54 =	vld.idx.msk [tilespmem:v47+s14+$0x0], $0xffff;
	v2 =	vadd.f32 v3, v2;
	v3 =	vmul.f32 v46, v45  }
0x17f: {  	v56 =	vor.u32 $0x1E, v1;
	v55 =	vld.idx.msk [tilespmem:v47+s15+$0x0], $0xffff  }
0x180: {  	v57 =	vld.idx.msk [tilespmem:v50+s14+$0x0], $0xffff;
	v2 =	vadd.f32 v3, v2;
	v3 =	vmul.f32 v49, v48  }
0x181: {  	v1 =	vor.u32 $0x1F, v1;
	v58 =	vld.idx.msk [tilespmem:v50+s15+$0x0], $0xffff  }
0x182: {  	v59 =	vld.idx.msk [tilespmem:v53+s14+$0x0], $0xffff;
	v2 =	vadd.f32 v3, v2;
	v3 =	vmul.f32 v52, v51  }
0x183: {  	v60 =	vld.idx.msk [tilespmem:v53+s15+$0x0], $0xffff  }
0x184: {  	v62 =	vld.idx.msk [tilespmem:v56+s15+$0x0], $0xffff;
	v2 =	vadd.f32 v3, v2;
	v3 =	vmul.f32 v55, v54  }
0x185: {  	v61 =	vld.idx.msk [tilespmem:v56+s14+$0x0], $0xffff  }
0x186: {  	v63 =	vld.idx.msk [tilespmem:v1+s14+$0x0], $0xffff;
	v2 =	vadd.f32 v3, v2;
	v3 =	vmul.f32 v58, v57  }
0x187: {  	v1 =	vld.idx.msk [tilespmem:v1+s15+$0x0], $0xffff  }
0x188: {  	v2 =	vadd.f32 v3, v2;
	v3 =	vmul.f32 v60, v59;
	_ =	sdelay $0x1  }
0x189: {  	v2 =	vadd.f32 v3, v2;
	v3 =	vmul.f32 v62, v61;
	_ =	sdelay $0x1  }
0x18a: {  	v1 =	vmul.f32 v1, v63;
	v2 =	vadd.f32 v3, v2;
	_ =	sdelay $0x1  }
0x18b: {  	s19 =	sadd.s32 $0x1, s19;
	v1 =	vadd.f32 v1, v2  }
0x18c: {  	s25 =	sadd.s32 $0x10, s24;
	p0 =	sne.s32 s19, s10  }
.Ltmp1:
0x18d: {  	[tilespmem:s25+$0x0] =	vst v1;
	(pc) =	sbr.rel @p0 .LBB2_1-.Ltmp1, $4  }
0x18e: {  	[hbm4b:s9+s2] =	stream.linear.scatter [tilespmem:s18], [sflag:$0x2], $0x200, $0x38;
	[tilespmem:$0x8A00] =	vst v63  }
0x18f: {  	_ =	swait.ge [sflag:s11], $0x200  }
0x190: {  	[sflag:s11] =	ssyncset.done $0x0  }
0x191: {  	[sflag:s11] =	ssyncadd.s32 $0xFFFFFE00  }
0x192: {  	_ =	sfence.sel $0x180000  }
0x193: {  	[bflag:$0x0] =	sbarrier.arrive $0xFFFF  }
0x194: {  	_ =	strace $0x90000047  }
0x195: {  	s0 =	stileid.u32;
	[bflag:$0x2] =	sbarrier.arrive $0xFFFF  }
0x196: {  	p0 =	sne.s32 s0, $0x0;
	s0 =	rddreg [dreg:$0x4]  }
0x197: {  	s0 =	sadd.s32 @!p0 $0x100000, s0  }
0x198: {  	[sflag:s0] =	ssyncadd.tile.s32 @!p0 $0x1;
	_ =	shalt  }
.Lfunc_end2:
_tile_overlayer_lowered:
.L_overlay_start_2:
0x199: {  	(tag) =	ssettag $0x2  }
0x19a: {  	s0 =	rddreg [dreg:$0x0];
	s2 =	stileid.u32  }
0x19b: {  	s1 =	rddreg [dreg:$0x1];
	p0 =	sne.s32 s2, $0x0  }
0x19c: {  	s3 =	rddreg [dreg:$0x2];
	[bflag:$0x3] =	sbarrier.arrive $0xFFFF;
	s2 =	simm.s32 @!p0 $0x1C02  }
0x19d: {  	[timem:s3], [sflag:s2] =	dma.local @!p0 [hbm:s0], s1  }
0x19e: {  	s0 =	simm.s32 @!p0 $0x2  }
0x19f: {  	_ =	swait.ge @!p0 [sflag:s0], s1  }
0x1a0: {  	s1 =	ssub.s32 @!p0 $0x0, s1;
	[sflag:s0] =	ssyncset.done @!p0 $0x0  }
0x1a1: {  	[sflag:s0] =	ssyncadd.s32 @!p0 s1  }
0x1a2: {  	[bflag:$0x3] =	sbarrier.arrive $0xFFFF  }
0x1a3: {  	_ =	shalt  }

</sc_bundles>
